<compile_context>
chip_gen: v7x
topology: tpu7x:2x2x1
jax: 0.10.2.dev20260603
libtpu: 0.0.44.dev20260713+nightly
codegen_flags: <defaults>
</compile_context>

<pallas_src>
import jax
import jax.numpy as jnp
from jax import lax
from jax.experimental import pallas as pl
from jax.experimental.pallas import tpu as pltpu
from jax.experimental.pallas import tpu_sc as plsc

T = 10
P = 1048576
S = 2
NB = 256
NBINS = NB * NB

NC = 2
NS = 16
CHUNK = 16384
H = P // NC
W = T * H
RANGE = W // NS
NSLOTS = NC * NS * 2

assert H % CHUNK == 0 and RANGE % CHUNK == 0


def _slot_schedule():
    by_t = {t: [] for t in range(T)}
    for c in range(NC):
        for s in range(NS):
            lo = s * RANGE
            t0 = lo // H
            r0 = lo - t0 * H
            len0 = min(RANGE, H - r0)
            wid = c * NS + s
            by_t[t0].append(wid * 2)
            if RANGE - len0 > 0:
                by_t[t0 + 1].append(wid * 2 + 1)
    return by_t


_BY_T = _slot_schedule()


def _i32(x):
    return jnp.asarray(x, jnp.int32)


def _sc_body(x_hbm, out_hbm, hist, abuf, bbuf):
    c = _i32(lax.axis_index("c"))
    s = _i32(lax.axis_index("s"))
    lo = s * _i32(RANGE)
    t0 = lo // _i32(H)
    r0 = lo - t0 * _i32(H)
    len0 = jnp.minimum(_i32(RANGE), _i32(H) - r0)
    n0 = len0 // _i32(CHUNK)
    n1 = (_i32(RANGE) - len0) // _i32(CHUNK)
    base_col = c * _i32(H)
    wid = c * _i32(NS) + s

    ones_f = jnp.ones((16,), jnp.float32)
    zeros_f = jnp.zeros((16,), jnp.float32)

    def zero_hist():
        def zbody(i, carry):
            off = i * _i32(64)
            for u in range(4):
                hist[pl.ds(off + _i32(u * 16), 16)] = zeros_f
            return carry

        lax.fori_loop(_i32(0), _i32(NBINS // 64), zbody, _i32(0))

    def process_chunk(t, start):
        pltpu.sync_copy(x_hbm.at[t, _i32(0), pl.ds(start, CHUNK)], abuf)
        pltpu.sync_copy(x_hbm.at[t, _i32(1), pl.ds(start, CHUNK)], bbuf)

        def ibody(i, carry):
            off = i * _i32(64)
            for u in range(4):
                o = off + _i32(u * 16)
                va = plsc.bitcast(abuf[pl.ds(o, 16)], jnp.int32)
                vb = plsc.bitcast(bbuf[pl.ds(o, 16)], jnp.int32)
                idx = va * _i32(NB) + vb
                plsc.addupdate_scatter(hist, [idx], ones_f)
            return carry

        lax.fori_loop(_i32(0), _i32(CHUNK // 64), ibody, _i32(0))

    def run_segment(t, seg_start, nchunks, slot):
        zero_hist()

        def chunk_body(k, carry):
            process_chunk(t, seg_start + k * _i32(CHUNK))
            return carry

        lax.fori_loop(_i32(0), nchunks, chunk_body, _i32(0))
        pltpu.sync_copy(hist, out_hbm.at[slot])

    run_segment(t0, base_col + r0, n0, wid * _i32(2))

    @pl.when(n1 > 0)
    def _():
        run_segment(t0 + _i32(1), base_col, n1, wid * _i32(2) + _i32(1))


def _sc_histogram(xw):
    mesh = plsc.VectorSubcoreMesh(
        core_axis_name="c", subcore_axis_name="s",
        num_cores=NC, num_subcores=NS)
    cp = pltpu.CompilerParams(
        needs_layout_passes=False, use_tc_tiling_on_sc=False)
    f = pl.kernel(
        _sc_body,
        out_type=jax.ShapeDtypeStruct((NSLOTS, NBINS), jnp.float32),
        mesh=mesh,
        scratch_types=[
            pltpu.VMEM((NBINS,), jnp.float32),
            pltpu.VMEM((CHUNK,), jnp.uint32),
            pltpu.VMEM((CHUNK,), jnp.uint32),
        ],
        compiler_params=cp,
    )
    return f(xw)


def _tc_entropy_body(p_ref, mi_ref, hm_ref, hj_ref):
    eps = 1e-10
    mi_a = jnp.float32(0.0)
    hm_a = jnp.float32(0.0)
    hj_a = jnp.float32(0.0)
    for t in range(T):
        sls = _BY_T[t]
        j = p_ref[sls[0]]
        for sl in sls[1:]:
            j = j + p_ref[sl]
        total = jnp.sum(j)
        m0 = jnp.sum(j, axis=1)
        m1 = jnp.sum(j, axis=0)
        pj = j / total
        hj = -jnp.sum(pj * jnp.log2(pj + eps))
        p0 = m0 / total
        p1 = m1 / total
        hm = (-jnp.sum(p0 * jnp.log2(p0 + eps))
              - jnp.sum(p1 * jnp.log2(p1 + eps)))
        mi_a += (hm - hj) / hm
        hm_a += hm
        hj_a += hj
    mi_ref[0] = mi_a / T
    hm_ref[0] = hm_a / T
    hj_ref[0] = hj_a / T


def _entropy(parts):
    return pl.pallas_call(
        _tc_entropy_body,
        out_shape=[jax.ShapeDtypeStruct((1,), jnp.float32)] * 3,
        out_specs=[pl.BlockSpec(memory_space=pltpu.SMEM)] * 3,
    )(parts)


def kernel(inputs):
    xt = jnp.transpose(inputs, (0, 2, 1)).astype(jnp.uint32)
    parts = _sc_histogram(xt)
    mi, hm, hj = _entropy(parts.reshape(NSLOTS, NB, NB))
    return (mi[0], hm[0], hj[0])

# --- scband reference (transcript-rebuilt; emitter-appended) ---
"""Pipeline reference for scband-mihistogram-penalty-8650064134500 (READ-ONLY COPY).

The authoritative reference and input builder live on the scoring server;
editing this copy changes nothing except your own understanding.
"""

import jax, jax.numpy as jnp
import numpy as np

jax.config.update("jax_enable_x64", True)

T = 10
P = 1048576
S = 2
BITS = 8
B = 2 ** BITS


def setup_inputs(seed: int = 0) -> dict:
    key = jax.random.key(seed)
    inputs = jax.random.randint(key, (T, P, S), 0, B, dtype=jnp.int64)
    return {"inputs": inputs}


def reference(inputs):
    T_, P_, S_ = inputs.shape
    nb = B
    eps = 1e-10
    # marginal histograms: [T, S, 2**bits]
    t_idx = jnp.arange(T_)[:, None, None]
    s_idx = jnp.arange(S_)[None, None, :]
    midx = ((t_idx * S_ + s_idx) * nb + inputs).ravel()
    marg = jnp.bincount(midx, length=T_ * S_ * nb).reshape(T_, S_, nb).astype(jnp.float32)
    # joint histogram: joint_inputs = inputs[...,1] + 2**bits * inputs[...,0]
    j = inputs[:, :, 1] + nb * inputs[:, :, 0]
    jidx = (jnp.arange(T_)[:, None] * (nb * nb) + j).ravel()
    joint = jnp.bincount(jidx, length=T_ * nb * nb).reshape(T_, nb, nb).astype(jnp.float32)
    # entropies per tuple
    marg_pdf = marg / jnp.sum(marg, axis=-1, keepdims=True)
    H_marg = jnp.sum(-jnp.sum(marg_pdf * jnp.log2(marg_pdf + eps), axis=-1), axis=-1)  # [T]
    joint_pdf = joint / jnp.sum(joint, axis=(1, 2), keepdims=True)
    H_joint = -jnp.sum(joint_pdf * jnp.log2(joint_pdf + eps), axis=(1, 2))  # [T]
    mi = (H_marg - H_joint) / H_marg  # normalize=True default
    return (jnp.mean(mi), jnp.mean(H_marg), jnp.mean(H_joint))

if __name__ == "__main__":
    import jax
    _d = setup_inputs()
    print(jax.jit(kernel)(*tuple(_d.values())))

</pallas_src>

<mosaic_0001>
#map = affine_map<(d0, d1) -> (0, 0, 0)>
#map1 = affine_map<(d0, d1) -> (0, 0)>
module attributes {stable_mosaic.version = 14 : i64} {
  func.func @_sc_body(%arg0: i32, %arg1: i32, %arg2: memref<10x2x1048576xi32, #tpu.memory_space<hbm>>, %arg3: memref<64x65536xf32, #tpu.memory_space<hbm>>, %arg4: memref<65536xf32, #tpu.memory_space<vmem>>, %arg5: memref<16384xi32, #tpu.memory_space<vmem>>, %arg6: memref<16384xi32, #tpu.memory_space<vmem>>) attributes {dimension_semantics = [#tpu.dimension_semantics<core_parallel>, #tpu.dimension_semantics<subcore_parallel>], iteration_bounds = array<i64: 2, 16>, scalar_prefetch = 0 : i64, scratch_operands = 3 : i64, tpu.core_type = #tpu.core_type<sc_vector_subcore>, window_params = [{transform_indices = #map}, {transform_indices = #map1}]} {
    %mul3A = arith.constant 327680 : i32
    %mul3A_0 = arith.muli %arg1, %mul3A : i32
    %jit3A = arith.constant 524288 : i32
    %div3A = arith.divsi %mul3A_0, %jit3A : i32
    %sign3A = arith.constant 0 : i32
    %sign3A_1 = arith.cmpi sgt, %mul3A_0, %sign3A : i32
    %sign3A_2 = arith.extui %sign3A_1 : i1 to i32
    %sign3A_3 = arith.constant 0 : i32
    %sign3A_4 = arith.cmpi slt, %mul3A_0, %sign3A_3 : i32
    %sign3A_5 = arith.extui %sign3A_4 : i1 to i32
    %sign3A_6 = arith.subi %sign3A_2, %sign3A_5 : i32
    %sign3A_7 = arith.constant 0 : i32
    %sign3A_8 = arith.cmpi sgt, %jit3A, %sign3A_7 : i32
    %sign3A_9 = arith.extui %sign3A_8 : i1 to i32
    %sign3A_10 = arith.constant 0 : i32
    %sign3A_11 = arith.cmpi slt, %jit3A, %sign3A_10 : i32
    %sign3A_12 = arith.extui %sign3A_11 : i1 to i32
    %sign3A_13 = arith.subi %sign3A_9, %sign3A_12 : i32
    %ne3A = arith.cmpi ne, %sign3A_6, %sign3A_13 : i32
    %rem3A = arith.remsi %mul3A_0, %jit3A : i32
    %ne3A_14 = arith.constant 0 : i32
    %ne3A_15 = arith.cmpi ne, %rem3A, %ne3A_14 : i32
    %and3A = arith.andi %ne3A, %ne3A_15 : i1
    %sub3A = arith.constant 1 : i32
    %sub3A_16 = arith.subi %div3A, %sub3A : i32
    %select_n3A = arith.select %and3A, %sub3A_16, %div3A : i32
    %mul3A_17 = arith.constant 524288 : i32
    %mul3A_18 = arith.muli %select_n3A, %mul3A_17 : i32
    %sub3A_19 = arith.subi %mul3A_0, %mul3A_18 : i32
    %sub3A_20 = arith.constant 524288 : i32
    %sub3A_21 = arith.subi %sub3A_20, %sub3A_19 : i32
    %min3A = arith.constant 327680 : i32
    %min3A_22 = arith.minsi %min3A, %sub3A_21 : i32
    %jit3A_23 = arith.constant 16384 : i32
    %div3A_24 = arith.divsi %min3A_22, %jit3A_23 : i32
    %sign3A_25 = arith.constant 0 : i32
    %sign3A_26 = arith.cmpi sgt, %min3A_22, %sign3A_25 : i32
    %sign3A_27 = arith.extui %sign3A_26 : i1 to i32
    %sign3A_28 = arith.constant 0 : i32
    %sign3A_29 = arith.cmpi slt, %min3A_22, %sign3A_28 : i32
    %sign3A_30 = arith.extui %sign3A_29 : i1 to i32
    %sign3A_31 = arith.subi %sign3A_27, %sign3A_30 : i32
    %sign3A_32 = arith.constant 0 : i32
    %sign3A_33 = arith.cmpi sgt, %jit3A_23, %sign3A_32 : i32
    %sign3A_34 = arith.extui %sign3A_33 : i1 to i32
    %sign3A_35 = arith.constant 0 : i32
    %sign3A_36 = arith.cmpi slt, %jit3A_23, %sign3A_35 : i32
    %sign3A_37 = arith.extui %sign3A_36 : i1 to i32
    %sign3A_38 = arith.subi %sign3A_34, %sign3A_37 : i32
    %ne3A_39 = arith.cmpi ne, %sign3A_31, %sign3A_38 : i32
    %rem3A_40 = arith.remsi %min3A_22, %jit3A_23 : i32
    %ne3A_41 = arith.constant 0 : i32
    %ne3A_42 = arith.cmpi ne, %rem3A_40, %ne3A_41 : i32
    %and3A_43 = arith.andi %ne3A_39, %ne3A_42 : i1
    %sub3A_44 = arith.constant 1 : i32
    %sub3A_45 = arith.subi %div3A_24, %sub3A_44 : i32
    %select_n3A_46 = arith.select %and3A_43, %sub3A_45, %div3A_24 : i32
    %sub3A_47 = arith.constant 327680 : i32
    %sub3A_48 = arith.subi %sub3A_47, %min3A_22 : i32
    %jit3A_49 = arith.constant 16384 : i32
    %div3A_50 = arith.divsi %sub3A_48, %jit3A_49 : i32
    %sign3A_51 = arith.constant 0 : i32
    %sign3A_52 = arith.cmpi sgt, %sub3A_48, %sign3A_51 : i32
    %sign3A_53 = arith.extui %sign3A_52 : i1 to i32
    %sign3A_54 = arith.constant 0 : i32
    %sign3A_55 = arith.cmpi slt, %sub3A_48, %sign3A_54 : i32
    %sign3A_56 = arith.extui %sign3A_55 : i1 to i32
    %sign3A_57 = arith.subi %sign3A_53, %sign3A_56 : i32
    %sign3A_58 = arith.constant 0 : i32
    %sign3A_59 = arith.cmpi sgt, %jit3A_49, %sign3A_58 : i32
    %sign3A_60 = arith.extui %sign3A_59 : i1 to i32
    %sign3A_61 = arith.constant 0 : i32
    %sign3A_62 = arith.cmpi slt, %jit3A_49, %sign3A_61 : i32
    %sign3A_63 = arith.extui %sign3A_62 : i1 to i32
    %sign3A_64 = arith.subi %sign3A_60, %sign3A_63 : i32
    %ne3A_65 = arith.cmpi ne, %sign3A_57, %sign3A_64 : i32
    %rem3A_66 = arith.remsi %sub3A_48, %jit3A_49 : i32
    %ne3A_67 = arith.constant 0 : i32
    %ne3A_68 = arith.cmpi ne, %rem3A_66, %ne3A_67 : i32
    %and3A_69 = arith.andi %ne3A_65, %ne3A_68 : i1
    %sub3A_70 = arith.constant 1 : i32
    %sub3A_71 = arith.subi %div3A_50, %sub3A_70 : i32
    %select_n3A_72 = arith.select %and3A_69, %sub3A_71, %div3A_50 : i32
    %mul3A_73 = arith.constant 524288 : i32
    %mul3A_74 = arith.muli %arg0, %mul3A_73 : i32
    %mul3A_75 = arith.constant 16 : i32
    %mul3A_76 = arith.muli %arg0, %mul3A_75 : i32
    %add3A = arith.addi %mul3A_76, %arg1 : i32
    %broadcast_in_dim3A = arith.constant 1.000000e+00 : f32
    %broadcast_in_dim3A_77 = vector.broadcast %broadcast_in_dim3A : f32 to vector<16xf32>
    %broadcast_in_dim3A_78 = arith.constant 0.000000e+00 : f32
    %broadcast_in_dim3A_79 = vector.broadcast %broadcast_in_dim3A_78 : f32 to vector<16xf32>
    %add3A_80 = arith.addi %mul3A_74, %sub3A_19 : i32
    %mul3A_81 = arith.constant 2 : i32
    %mul3A_82 = arith.muli %add3A, %mul3A_81 : i32
    %while3A = arith.constant 0 : i32
    %while3A_83 = arith.constant 0 : i32
    %while3A_84 = arith.constant 1024 : i32
    %while3A_85 = arith.subi %while3A_84, %while3A_83 : i32
    %while3A_86 = arith.addi %while3A_83, %while3A_85 : i32
    %while3A_87 = arith.constant 1 : i32
    %while3A_88 = arith.divsi %while3A_85, %while3A_87 : i32
    %while3A_89 = arith.muli %while3A_88, %while3A_87 : i32
    %while3A_90 = arith.addi %while3A_83, %while3A_89 : i32
    %while3A_91 = arith.constant 1 : i32
    scf.for %while3A_105 = %while3A_83 to %while3A_90 step %while3A_91  : i32 {
      %mul3A_106 = arith.constant 64 : i32
      %mul3A_107 = arith.muli %while3A_105, %mul3A_106 : i32
      %add3A_108 = arith.constant 0 : i32
      %add3A_109 = arith.addi %mul3A_107, %add3A_108 : i32
      %swap3A = arith.index_cast %add3A_109 : i32 to index
      %swap3A_110 = tpu.vector_load %arg4[%swap3A] {strides = array<i32>} : memref<65536xf32, #tpu.memory_space<vmem>>, vector<16xf32>,
      tpu.vector_store %arg4[%swap3A], %broadcast_in_dim3A_79 {strides = array<i32>} : memref<65536xf32, #tpu.memory_space<vmem>>, vector<16xf32>,
      %add3A_111 = arith.constant 16 : i32
      %add3A_112 = arith.addi %mul3A_107, %add3A_111 : i32
      %swap3A_113 = arith.index_cast %add3A_112 : i32 to index
      %swap3A_114 = tpu.vector_load %arg4[%swap3A_113] {strides = array<i32>} : memref<65536xf32, #tpu.memory_space<vmem>>, vector<16xf32>,
      tpu.vector_store %arg4[%swap3A_113], %broadcast_in_dim3A_79 {strides = array<i32>} : memref<65536xf32, #tpu.memory_space<vmem>>, vector<16xf32>,
      %add3A_115 = arith.constant 32 : i32
      %add3A_116 = arith.addi %mul3A_107, %add3A_115 : i32
      %swap3A_117 = arith.index_cast %add3A_116 : i32 to index
      %swap3A_118 = tpu.vector_load %arg4[%swap3A_117] {strides = array<i32>} : memref<65536xf32, #tpu.memory_space<vmem>>, vector<16xf32>,
      tpu.vector_store %arg4[%swap3A_117], %broadcast_in_dim3A_79 {strides = array<i32>} : memref<65536xf32, #tpu.memory_space<vmem>>, vector<16xf32>,
      %add3A_119 = arith.constant 48 : i32
      %add3A_120 = arith.addi %mul3A_107, %add3A_119 : i32
      %swap3A_121 = arith.index_cast %add3A_120 : i32 to index
      %swap3A_122 = tpu.vector_load %arg4[%swap3A_121] {strides = array<i32>} : memref<65536xf32, #tpu.memory_space<vmem>>, vector<16xf32>,
      tpu.vector_store %arg4[%swap3A_121], %broadcast_in_dim3A_79 {strides = array<i32>} : memref<65536xf32, #tpu.memory_space<vmem>>, vector<16xf32>,
    }
    %while3A_92 = arith.constant 1 : i32
    scf.for %while3A_105 = %while3A_90 to %while3A_86 step %while3A_92  : i32 {
      %mul3A_106 = arith.constant 64 : i32
      %mul3A_107 = arith.muli %while3A_105, %mul3A_106 : i32
      %add3A_108 = arith.constant 0 : i32
      %add3A_109 = arith.addi %mul3A_107, %add3A_108 : i32
      %swap3A = arith.index_cast %add3A_109 : i32 to index
      %swap3A_110 = tpu.vector_load %arg4[%swap3A] {strides = array<i32>} : memref<65536xf32, #tpu.memory_space<vmem>>, vector<16xf32>,
      tpu.vector_store %arg4[%swap3A], %broadcast_in_dim3A_79 {strides = array<i32>} : memref<65536xf32, #tpu.memory_space<vmem>>, vector<16xf32>,
      %add3A_111 = arith.constant 16 : i32
      %add3A_112 = arith.addi %mul3A_107, %add3A_111 : i32
      %swap3A_113 = arith.index_cast %add3A_112 : i32 to index
      %swap3A_114 = tpu.vector_load %arg4[%swap3A_113] {strides = array<i32>} : memref<65536xf32, #tpu.memory_space<vmem>>, vector<16xf32>,
      tpu.vector_store %arg4[%swap3A_113], %broadcast_in_dim3A_79 {strides = array<i32>} : memref<65536xf32, #tpu.memory_space<vmem>>, vector<16xf32>,
      %add3A_115 = arith.constant 32 : i32
      %add3A_116 = arith.addi %mul3A_107, %add3A_115 : i32
      %swap3A_117 = arith.index_cast %add3A_116 : i32 to index
      %swap3A_118 = tpu.vector_load %arg4[%swap3A_117] {strides = array<i32>} : memref<65536xf32, #tpu.memory_space<vmem>>, vector<16xf32>,
      tpu.vector_store %arg4[%swap3A_117], %broadcast_in_dim3A_79 {strides = array<i32>} : memref<65536xf32, #tpu.memory_space<vmem>>, vector<16xf32>,
      %add3A_119 = arith.constant 48 : i32
      %add3A_120 = arith.addi %mul3A_107, %add3A_119 : i32
      %swap3A_121 = arith.index_cast %add3A_120 : i32 to index
      %swap3A_122 = tpu.vector_load %arg4[%swap3A_121] {strides = array<i32>} : memref<65536xf32, #tpu.memory_space<vmem>>, vector<16xf32>,
      tpu.vector_store %arg4[%swap3A_121], %broadcast_in_dim3A_79 {strides = array<i32>} : memref<65536xf32, #tpu.memory_space<vmem>>, vector<16xf32>,
    }
    %while3A_93 = arith.constant 0 : i32
    %while3A_94 = arith.constant 0 : i32
    %while3A_95 = arith.subi %select_n3A_46, %while3A_94 : i32
    %while3A_96 = arith.addi %while3A_94, %while3A_95 : i32
    %while3A_97 = arith.constant 1 : i32
    %while3A_98 = arith.divsi %while3A_95, %while3A_97 : i32
    %while3A_99 = arith.muli %while3A_98, %while3A_97 : i32
    %while3A_100 = arith.addi %while3A_94, %while3A_99 : i32
    %while3A_101 = arith.constant 1 : i32
    scf.for %while3A_105 = %while3A_94 to %while3A_100 step %while3A_101  : i32 {
      %mul3A_106 = arith.constant 16384 : i32
      %mul3A_107 = arith.muli %while3A_105, %mul3A_106 : i32
      %add3A_108 = arith.addi %add3A_80, %mul3A_107 : i32
      %run_scoped3A = arith.constant 0 : i32
      "tpu.region"() ({
        %run_scoped3A_121 = tpu.sem_alloc : memref<!tpu.dma_semaphore, #tpu.memory_space<semaphore_mem>>
        %dma_start3A = tpu.memref_slice %arg2[%select_n3A, %run_scoped3A, %add3A_108] : memref<10x2x1048576xi32, #tpu.memory_space<hbm>> -> memref<1x1x16384xi32, #tpu.memory_space<hbm>>
        %dma_start3A_122 = tpu.memref_squeeze %dma_start3A : memref<1x1x16384xi32, #tpu.memory_space<hbm>> -> memref<16384xi32, #tpu.memory_space<hbm>>
        %dma_start3A_123 = tpu.memref_slice %arg2[%select_n3A, %run_scoped3A, %add3A_108] : memref<10x2x1048576xi32, #tpu.memory_space<hbm>> -> memref<1x1x16384xi32, #tpu.memory_space<hbm>>
        %dma_start3A_124 = tpu.memref_squeeze %dma_start3A_123 : memref<1x1x16384xi32, #tpu.memory_space<hbm>> -> memref<16384xi32, #tpu.memory_space<hbm>>
        tpu.enqueue_dma source(%dma_start3A_124 : memref<16384xi32, #tpu.memory_space<hbm>>) target(%arg5 : memref<16384xi32, #tpu.memory_space<vmem>>) target_semaphore(%run_scoped3A_121 : memref<!tpu.dma_semaphore, #tpu.memory_space<semaphore_mem>>)
        %dma_wait3A = tpu.memref_slice %arg2[%select_n3A, %run_scoped3A, %add3A_108] : memref<10x2x1048576xi32, #tpu.memory_space<hbm>> -> memref<1x1x16384xi32, #tpu.memory_space<hbm>>
        %dma_wait3A_125 = tpu.memref_squeeze %dma_wait3A : memref<1x1x16384xi32, #tpu.memory_space<hbm>> -> memref<16384xi32, #tpu.memory_space<hbm>>
        %dma_wait3A_126 = tpu.memref_slice %arg2[%select_n3A, %run_scoped3A, %add3A_108] : memref<10x2x1048576xi32, #tpu.memory_space<hbm>> -> memref<1x1x16384xi32, #tpu.memory_space<hbm>>
        %dma_wait3A_127 = tpu.memref_squeeze %dma_wait3A_126 : memref<1x1x16384xi32, #tpu.memory_space<hbm>> -> memref<16384xi32, #tpu.memory_space<hbm>>
        tpu.wait_dma2 semaphore(%run_scoped3A_121 : memref<!tpu.dma_semaphore, #tpu.memory_space<semaphore_mem>>) src(%dma_wait3A_127 : memref<16384xi32, #tpu.memory_space<hbm>>) dst(%arg5 : memref<16384xi32, #tpu.memory_space<vmem>>)
        tpu.yield
      }) : () -> ()
      %run_scoped3A_109 = arith.constant 1 : i32
      "tpu.region"() ({
        %run_scoped3A_121 = tpu.sem_alloc : memref<!tpu.dma_semaphore, #tpu.memory_space<semaphore_mem>>
        %dma_start3A = tpu.memref_slice %arg2[%select_n3A, %run_scoped3A_109, %add3A_108] : memref<10x2x1048576xi32, #tpu.memory_space<hbm>> -> memref<1x1x16384xi32, #tpu.memory_space<hbm>>
        %dma_start3A_122 = tpu.memref_squeeze %dma_start3A : memref<1x1x16384xi32, #tpu.memory_space<hbm>> -> memref<16384xi32, #tpu.memory_space<hbm>>
        %dma_start3A_123 = tpu.memref_slice %arg2[%select_n3A, %run_scoped3A_109, %add3A_108] : memref<10x2x1048576xi32, #tpu.memory_space<hbm>> -> memref<1x1x16384xi32, #tpu.memory_space<hbm>>
        %dma_start3A_124 = tpu.memref_squeeze %dma_start3A_123 : memref<1x1x16384xi32, #tpu.memory_space<hbm>> -> memref<16384xi32, #tpu.memory_space<hbm>>
        tpu.enqueue_dma source(%dma_start3A_124 : memref<16384xi32, #tpu.memory_space<hbm>>) target(%arg6 : memref<16384xi32, #tpu.memory_space<vmem>>) target_semaphore(%run_scoped3A_121 : memref<!tpu.dma_semaphore, #tpu.memory_space<semaphore_mem>>)
        %dma_wait3A = tpu.memref_slice %arg2[%select_n3A, %run_scoped3A_109, %add3A_108] : memref<10x2x1048576xi32, #tpu.memory_space<hbm>> -> memref<1x1x16384xi32, #tpu.memory_space<hbm>>
        %dma_wait3A_125 = tpu.memref_squeeze %dma_wait3A : memref<1x1x16384xi32, #tpu.memory_space<hbm>> -> memref<16384xi32, #tpu.memory_space<hbm>>
        %dma_wait3A_126 = tpu.memref_slice %arg2[%select_n3A, %run_scoped3A_109, %add3A_108] : memref<10x2x1048576xi32, #tpu.memory_space<hbm>> -> memref<1x1x16384xi32, #tpu.memory_space<hbm>>
        %dma_wait3A_127 = tpu.memref_squeeze %dma_wait3A_126 : memref<1x1x16384xi32, #tpu.memory_space<hbm>> -> memref<16384xi32, #tpu.memory_space<hbm>>
        tpu.wait_dma2 semaphore(%run_scoped3A_121 : memref<!tpu.dma_semaphore, #tpu.memory_space<semaphore_mem>>) src(%dma_wait3A_127 : memref<16384xi32, #tpu.memory_space<hbm>>) dst(%arg6 : memref<16384xi32, #tpu.memory_space<vmem>>)
        tpu.yield
      }) : () -> ()
      %while3A_110 = arith.constant 0 : i32
      %while3A_111 = arith.constant 0 : i32
      %while3A_112 = arith.constant 256 : i32
      %while3A_113 = arith.subi %while3A_112, %while3A_111 : i32
      %while3A_114 = arith.addi %while3A_111, %while3A_113 : i32
      %while3A_115 = arith.constant 1 : i32
      %while3A_116 = arith.divsi %while3A_113, %while3A_115 : i32
      %while3A_117 = arith.muli %while3A_116, %while3A_115 : i32
      %while3A_118 = arith.addi %while3A_111, %while3A_117 : i32
      %while3A_119 = arith.constant 1 : i32
      scf.for %while3A_121 = %while3A_111 to %while3A_118 step %while3A_119  : i32 {
        %mul3A_122 = arith.constant 64 : i32
        %mul3A_123 = arith.muli %while3A_121, %mul3A_122 : i32
        %add3A_124 = arith.constant 0 : i32
        %add3A_125 = arith.addi %mul3A_123, %add3A_124 : i32
        %get3A = arith.index_cast %add3A_125 : i32 to index
        %get3A_126 = tpu.vector_load %arg5[%get3A] {strides = array<i32>} : memref<16384xi32, #tpu.memory_space<vmem>>, vector<16xi32>,
        %bitcast3A = vector.bitcast %get3A_126 : vector<16xi32> to vector<16xi32>
        %get3A_127 = arith.index_cast %add3A_125 : i32 to index
        %get3A_128 = tpu.vector_load %arg6[%get3A_127] {strides = array<i32>} : memref<16384xi32, #tpu.memory_space<vmem>>, vector<16xi32>,
        %bitcast3A_129 = vector.bitcast %get3A_128 : vector<16xi32> to vector<16xi32>
        %mul3A_130 = arith.constant 256 : i32
        %mul3A_131 = vector.broadcast %mul3A_130 : i32 to vector<16xi32>
        %mul3A_132 = arith.muli %bitcast3A, %mul3A_131 : vector<16xi32>
        %add3A_133 = arith.addi %mul3A_132, %bitcast3A_129 : vector<16xi32>
        tpu.vector_store_idx %arg4[%add3A_133], %broadcast_in_dim3A_77 {add = true} : memref<65536xf32, #tpu.memory_space<vmem>>[vector<16xi32>], vector<16xf32>,
        %add3A_134 = arith.constant 16 : i32
        %add3A_135 = arith.addi %mul3A_123, %add3A_134 : i32
        %get3A_136 = arith.index_cast %add3A_135 : i32 to index
        %get3A_137 = tpu.vector_load %arg5[%get3A_136] {strides = array<i32>} : memref<16384xi32, #tpu.memory_space<vmem>>, vector<16xi32>,
        %bitcast3A_138 = vector.bitcast %get3A_137 : vector<16xi32> to vector<16xi32>
        %get3A_139 = arith.index_cast %add3A_135 : i32 to index
        %get3A_140 = tpu.vector_load %arg6[%get3A_139] {strides = array<i32>} : memref<16384xi32, #tpu.memory_space<vmem>>, vector<16xi32>,
        %bitcast3A_141 = vector.bitcast %get3A_140 : vector<16xi32> to vector<16xi32>
        %mul3A_142 = arith.constant 256 : i32
        %mul3A_143 = vector.broadcast %mul3A_142 : i32 to vector<16xi32>
        %mul3A_144 = arith.muli %bitcast3A_138, %mul3A_143 : vector<16xi32>
        %add3A_145 = arith.addi %mul3A_144, %bitcast3A_141 : vector<16xi32>
        tpu.vector_store_idx %arg4[%add3A_145], %broadcast_in_dim3A_77 {add = true} : memref<65536xf32, #tpu.memory_space<vmem>>[vector<16xi32>], vector<16xf32>,
        %add3A_146 = arith.constant 32 : i32
        %add3A_147 = arith.addi %mul3A_123, %add3A_146 : i32
        %get3A_148 = arith.index_cast %add3A_147 : i32 to index
        %get3A_149 = tpu.vector_load %arg5[%get3A_148] {strides = array<i32>} : memref<16384xi32, #tpu.memory_space<vmem>>, vector<16xi32>,
        %bitcast3A_150 = vector.bitcast %get3A_149 : vector<16xi32> to vector<16xi32>
        %get3A_151 = arith.index_cast %add3A_147 : i32 to index
        %get3A_152 = tpu.vector_load %arg6[%get3A_151] {strides = array<i32>} : memref<16384xi32, #tpu.memory_space<vmem>>, vector<16xi32>,
        %bitcast3A_153 = vector.bitcast %get3A_152 : vector<16xi32> to vector<16xi32>
        %mul3A_154 = arith.constant 256 : i32
        %mul3A_155 = vector.broadcast %mul3A_154 : i32 to vector<16xi32>
        %mul3A_156 = arith.muli %bitcast3A_150, %mul3A_155 : vector<16xi32>
        %add3A_157 = arith.addi %mul3A_156, %bitcast3A_153 : vector<16xi32>
        tpu.vector_store_idx %arg4[%add3A_157], %broadcast_in_dim3A_77 {add = true} : memref<65536xf32, #tpu.memory_space<vmem>>[vector<16xi32>], vector<16xf32>,
        %add3A_158 = arith.constant 48 : i32
        %add3A_159 = arith.addi %mul3A_123, %add3A_158 : i32
        %get3A_160 = arith.index_cast %add3A_159 : i32 to index
        %get3A_161 = tpu.vector_load %arg5[%get3A_160] {strides = array<i32>} : memref<16384xi32, #tpu.memory_space<vmem>>, vector<16xi32>,
        %bitcast3A_162 = vector.bitcast %get3A_161 : vector<16xi32> to vector<16xi32>
        %get3A_163 = arith.index_cast %add3A_159 : i32 to index
        %get3A_164 = tpu.vector_load %arg6[%get3A_163] {strides = array<i32>} : memref<16384xi32, #tpu.memory_space<vmem>>, vector<16xi32>,
        %bitcast3A_165 = vector.bitcast %get3A_164 : vector<16xi32> to vector<16xi32>
        %mul3A_166 = arith.constant 256 : i32
        %mul3A_167 = vector.broadcast %mul3A_166 : i32 to vector<16xi32>
        %mul3A_168 = arith.muli %bitcast3A_162, %mul3A_167 : vector<16xi32>
        %add3A_169 = arith.addi %mul3A_168, %bitcast3A_165 : vector<16xi32>
        tpu.vector_store_idx %arg4[%add3A_169], %broadcast_in_dim3A_77 {add = true} : memref<65536xf32, #tpu.memory_space<vmem>>[vector<16xi32>], vector<16xf32>,
      }
      %while3A_120 = arith.constant 1 : i32
      scf.for %while3A_121 = %while3A_118 to %while3A_114 step %while3A_120  : i32 {
        %mul3A_122 = arith.constant 64 : i32
        %mul3A_123 = arith.muli %while3A_121, %mul3A_122 : i32
        %add3A_124 = arith.constant 0 : i32
        %add3A_125 = arith.addi %mul3A_123, %add3A_124 : i32
        %get3A = arith.index_cast %add3A_125 : i32 to index
        %get3A_126 = tpu.vector_load %arg5[%get3A] {strides = array<i32>} : memref<16384xi32, #tpu.memory_space<vmem>>, vector<16xi32>,
        %bitcast3A = vector.bitcast %get3A_126 : vector<16xi32> to vector<16xi32>
        %get3A_127 = arith.index_cast %add3A_125 : i32 to index
        %get3A_128 = tpu.vector_load %arg6[%get3A_127] {strides = array<i32>} : memref<16384xi32, #tpu.memory_space<vmem>>, vector<16xi32>,
        %bitcast3A_129 = vector.bitcast %get3A_128 : vector<16xi32> to vector<16xi32>
        %mul3A_130 = arith.constant 256 : i32
        %mul3A_131 = vector.broadcast %mul3A_130 : i32 to vector<16xi32>
        %mul3A_132 = arith.muli %bitcast3A, %mul3A_131 : vector<16xi32>
        %add3A_133 = arith.addi %mul3A_132, %bitcast3A_129 : vector<16xi32>
        tpu.vector_store_idx %arg4[%add3A_133], %broadcast_in_dim3A_77 {add = true} : memref<65536xf32, #tpu.memory_space<vmem>>[vector<16xi32>], vector<16xf32>,
        %add3A_134 = arith.constant 16 : i32
        %add3A_135 = arith.addi %mul3A_123, %add3A_134 : i32
        %get3A_136 = arith.index_cast %add3A_135 : i32 to index
        %get3A_137 = tpu.vector_load %arg5[%get3A_136] {strides = array<i32>} : memref<16384xi32, #tpu.memory_space<vmem>>, vector<16xi32>,
        %bitcast3A_138 = vector.bitcast %get3A_137 : vector<16xi32> to vector<16xi32>
        %get3A_139 = arith.index_cast %add3A_135 : i32 to index
        %get3A_140 = tpu.vector_load %arg6[%get3A_139] {strides = array<i32>} : memref<16384xi32, #tpu.memory_space<vmem>>, vector<16xi32>,
        %bitcast3A_141 = vector.bitcast %get3A_140 : vector<16xi32> to vector<16xi32>
        %mul3A_142 = arith.constant 256 : i32
        %mul3A_143 = vector.broadcast %mul3A_142 : i32 to vector<16xi32>
        %mul3A_144 = arith.muli %bitcast3A_138, %mul3A_143 : vector<16xi32>
        %add3A_145 = arith.addi %mul3A_144, %bitcast3A_141 : vector<16xi32>
        tpu.vector_store_idx %arg4[%add3A_145], %broadcast_in_dim3A_77 {add = true} : memref<65536xf32, #tpu.memory_space<vmem>>[vector<16xi32>], vector<16xf32>,
        %add3A_146 = arith.constant 32 : i32
        %add3A_147 = arith.addi %mul3A_123, %add3A_146 : i32
        %get3A_148 = arith.index_cast %add3A_147 : i32 to index
        %get3A_149 = tpu.vector_load %arg5[%get3A_148] {strides = array<i32>} : memref<16384xi32, #tpu.memory_space<vmem>>, vector<16xi32>,
        %bitcast3A_150 = vector.bitcast %get3A_149 : vector<16xi32> to vector<16xi32>
        %get3A_151 = arith.index_cast %add3A_147 : i32 to index
        %get3A_152 = tpu.vector_load %arg6[%get3A_151] {strides = array<i32>} : memref<16384xi32, #tpu.memory_space<vmem>>, vector<16xi32>,
        %bitcast3A_153 = vector.bitcast %get3A_152 : vector<16xi32> to vector<16xi32>
        %mul3A_154 = arith.constant 256 : i32
        %mul3A_155 = vector.broadcast %mul3A_154 : i32 to vector<16xi32>
        %mul3A_156 = arith.muli %bitcast3A_150, %mul3A_155 : vector<16xi32>
        %add3A_157 = arith.addi %mul3A_156, %bitcast3A_153 : vector<16xi32>
        tpu.vector_store_idx %arg4[%add3A_157], %broadcast_in_dim3A_77 {add = true} : memref<65536xf32, #tpu.memory_space<vmem>>[vector<16xi32>], vector<16xf32>,
        %add3A_158 = arith.constant 48 : i32
        %add3A_159 = arith.addi %mul3A_123, %add3A_158 : i32
        %get3A_160 = arith.index_cast %add3A_159 : i32 to index
        %get3A_161 = tpu.vector_load %arg5[%get3A_160] {strides = array<i32>} : memref<16384xi32, #tpu.memory_space<vmem>>, vector<16xi32>,
        %bitcast3A_162 = vector.bitcast %get3A_161 : vector<16xi32> to vector<16xi32>
        %get3A_163 = arith.index_cast %add3A_159 : i32 to index
        %get3A_164 = tpu.vector_load %arg6[%get3A_163] {strides = array<i32>} : memref<16384xi32, #tpu.memory_space<vmem>>, vector<16xi32>,
        %bitcast3A_165 = vector.bitcast %get3A_164 : vector<16xi32> to vector<16xi32>
        %mul3A_166 = arith.constant 256 : i32
        %mul3A_167 = vector.broadcast %mul3A_166 : i32 to vector<16xi32>
        %mul3A_168 = arith.muli %bitcast3A_162, %mul3A_167 : vector<16xi32>
        %add3A_169 = arith.addi %mul3A_168, %bitcast3A_165 : vector<16xi32>
        tpu.vector_store_idx %arg4[%add3A_169], %broadcast_in_dim3A_77 {add = true} : memref<65536xf32, #tpu.memory_space<vmem>>[vector<16xi32>], vector<16xf32>,
      }
    }
    %while3A_102 = arith.constant 1 : i32
    scf.for %while3A_105 = %while3A_100 to %while3A_96 step %while3A_102  : i32 {
      %mul3A_106 = arith.constant 16384 : i32
      %mul3A_107 = arith.muli %while3A_105, %mul3A_106 : i32
      %add3A_108 = arith.addi %add3A_80, %mul3A_107 : i32
      %run_scoped3A = arith.constant 0 : i32
      "tpu.region"() ({
        %run_scoped3A_121 = tpu.sem_alloc : memref<!tpu.dma_semaphore, #tpu.memory_space<semaphore_mem>>
        %dma_start3A = tpu.memref_slice %arg2[%select_n3A, %run_scoped3A, %add3A_108] : memref<10x2x1048576xi32, #tpu.memory_space<hbm>> -> memref<1x1x16384xi32, #tpu.memory_space<hbm>>
        %dma_start3A_122 = tpu.memref_squeeze %dma_start3A : memref<1x1x16384xi32, #tpu.memory_space<hbm>> -> memref<16384xi32, #tpu.memory_space<hbm>>
        %dma_start3A_123 = tpu.memref_slice %arg2[%select_n3A, %run_scoped3A, %add3A_108] : memref<10x2x1048576xi32, #tpu.memory_space<hbm>> -> memref<1x1x16384xi32, #tpu.memory_space<hbm>>
        %dma_start3A_124 = tpu.memref_squeeze %dma_start3A_123 : memref<1x1x16384xi32, #tpu.memory_space<hbm>> -> memref<16384xi32, #tpu.memory_space<hbm>>
        tpu.enqueue_dma source(%dma_start3A_124 : memref<16384xi32, #tpu.memory_space<hbm>>) target(%arg5 : memref<16384xi32, #tpu.memory_space<vmem>>) target_semaphore(%run_scoped3A_121 : memref<!tpu.dma_semaphore, #tpu.memory_space<semaphore_mem>>)
        %dma_wait3A = tpu.memref_slice %arg2[%select_n3A, %run_scoped3A, %add3A_108] : memref<10x2x1048576xi32, #tpu.memory_space<hbm>> -> memref<1x1x16384xi32, #tpu.memory_space<hbm>>
        %dma_wait3A_125 = tpu.memref_squeeze %dma_wait3A : memref<1x1x16384xi32, #tpu.memory_space<hbm>> -> memref<16384xi32, #tpu.memory_space<hbm>>
        %dma_wait3A_126 = tpu.memref_slice %arg2[%select_n3A, %run_scoped3A, %add3A_108] : memref<10x2x1048576xi32, #tpu.memory_space<hbm>> -> memref<1x1x16384xi32, #tpu.memory_space<hbm>>
        %dma_wait3A_127 = tpu.memref_squeeze %dma_wait3A_126 : memref<1x1x16384xi32, #tpu.memory_space<hbm>> -> memref<16384xi32, #tpu.memory_space<hbm>>
        tpu.wait_dma2 semaphore(%run_scoped3A_121 : memref<!tpu.dma_semaphore, #tpu.memory_space<semaphore_mem>>) src(%dma_wait3A_127 : memref<16384xi32, #tpu.memory_space<hbm>>) dst(%arg5 : memref<16384xi32, #tpu.memory_space<vmem>>)
        tpu.yield
      }) : () -> ()
      %run_scoped3A_109 = arith.constant 1 : i32
      "tpu.region"() ({
        %run_scoped3A_121 = tpu.sem_alloc : memref<!tpu.dma_semaphore, #tpu.memory_space<semaphore_mem>>
        %dma_start3A = tpu.memref_slice %arg2[%select_n3A, %run_scoped3A_109, %add3A_108] : memref<10x2x1048576xi32, #tpu.memory_space<hbm>> -> memref<1x1x16384xi32, #tpu.memory_space<hbm>>
        %dma_start3A_122 = tpu.memref_squeeze %dma_start3A : memref<1x1x16384xi32, #tpu.memory_space<hbm>> -> memref<16384xi32, #tpu.memory_space<hbm>>
        %dma_start3A_123 = tpu.memref_slice %arg2[%select_n3A, %run_scoped3A_109, %add3A_108] : memref<10x2x1048576xi32, #tpu.memory_space<hbm>> -> memref<1x1x16384xi32, #tpu.memory_space<hbm>>
        %dma_start3A_124 = tpu.memref_squeeze %dma_start3A_123 : memref<1x1x16384xi32, #tpu.memory_space<hbm>> -> memref<16384xi32, #tpu.memory_space<hbm>>
        tpu.enqueue_dma source(%dma_start3A_124 : memref<16384xi32, #tpu.memory_space<hbm>>) target(%arg6 : memref<16384xi32, #tpu.memory_space<vmem>>) target_semaphore(%run_scoped3A_121 : memref<!tpu.dma_semaphore, #tpu.memory_space<semaphore_mem>>)
        %dma_wait3A = tpu.memref_slice %arg2[%select_n3A, %run_scoped3A_109, %add3A_108] : memref<10x2x1048576xi32, #tpu.memory_space<hbm>> -> memref<1x1x16384xi32, #tpu.memory_space<hbm>>
        %dma_wait3A_125 = tpu.memref_squeeze %dma_wait3A : memref<1x1x16384xi32, #tpu.memory_space<hbm>> -> memref<16384xi32, #tpu.memory_space<hbm>>
        %dma_wait3A_126 = tpu.memref_slice %arg2[%select_n3A, %run_scoped3A_109, %add3A_108] : memref<10x2x1048576xi32, #tpu.memory_space<hbm>> -> memref<1x1x16384xi32, #tpu.memory_space<hbm>>
        %dma_wait3A_127 = tpu.memref_squeeze %dma_wait3A_126 : memref<1x1x16384xi32, #tpu.memory_space<hbm>> -> memref<16384xi32, #tpu.memory_space<hbm>>
        tpu.wait_dma2 semaphore(%run_scoped3A_121 : memref<!tpu.dma_semaphore, #tpu.memory_space<semaphore_mem>>) src(%dma_wait3A_127 : memref<16384xi32, #tpu.memory_space<hbm>>) dst(%arg6 : memref<16384xi32, #tpu.memory_space<vmem>>)
        tpu.yield
      }) : () -> ()
      %while3A_110 = arith.constant 0 : i32
      %while3A_111 = arith.constant 0 : i32
      %while3A_112 = arith.constant 256 : i32
      %while3A_113 = arith.subi %while3A_112, %while3A_111 : i32
      %while3A_114 = arith.addi %while3A_111, %while3A_113 : i32
      %while3A_115 = arith.constant 1 : i32
      %while3A_116 = arith.divsi %while3A_113, %while3A_115 : i32
      %while3A_117 = arith.muli %while3A_116, %while3A_115 : i32
      %while3A_118 = arith.addi %while3A_111, %while3A_117 : i32
      %while3A_119 = arith.constant 1 : i32
      scf.for %while3A_121 = %while3A_111 to %while3A_118 step %while3A_119  : i32 {
        %mul3A_122 = arith.constant 64 : i32
        %mul3A_123 = arith.muli %while3A_121, %mul3A_122 : i32
        %add3A_124 = arith.constant 0 : i32
        %add3A_125 = arith.addi %mul3A_123, %add3A_124 : i32
        %get3A = arith.index_cast %add3A_125 : i32 to index
        %get3A_126 = tpu.vector_load %arg5[%get3A] {strides = array<i32>} : memref<16384xi32, #tpu.memory_space<vmem>>, vector<16xi32>,
        %bitcast3A = vector.bitcast %get3A_126 : vector<16xi32> to vector<16xi32>
        %get3A_127 = arith.index_cast %add3A_125 : i32 to index
        %get3A_128 = tpu.vector_load %arg6[%get3A_127] {strides = array<i32>} : memref<16384xi32, #tpu.memory_space<vmem>>, vector<16xi32>,
        %bitcast3A_129 = vector.bitcast %get3A_128 : vector<16xi32> to vector<16xi32>
        %mul3A_130 = arith.constant 256 : i32
        %mul3A_131 = vector.broadcast %mul3A_130 : i32 to vector<16xi32>
        %mul3A_132 = arith.muli %bitcast3A, %mul3A_131 : vector<16xi32>
        %add3A_133 = arith.addi %mul3A_132, %bitcast3A_129 : vector<16xi32>
        tpu.vector_store_idx %arg4[%add3A_133], %broadcast_in_dim3A_77 {add = true} : memref<65536xf32, #tpu.memory_space<vmem>>[vector<16xi32>], vector<16xf32>,
        %add3A_134 = arith.constant 16 : i32
        %add3A_135 = arith.addi %mul3A_123, %add3A_134 : i32
        %get3A_136 = arith.index_cast %add3A_135 : i32 to index
        %get3A_137 = tpu.vector_load %arg5[%get3A_136] {strides = array<i32>} : memref<16384xi32, #tpu.memory_space<vmem>>, vector<16xi32>,
        %bitcast3A_138 = vector.bitcast %get3A_137 : vector<16xi32> to vector<16xi32>
        %get3A_139 = arith.index_cast %add3A_135 : i32 to index
        %get3A_140 = tpu.vector_load %arg6[%get3A_139] {strides = array<i32>} : memref<16384xi32, #tpu.memory_space<vmem>>, vector<16xi32>,
        %bitcast3A_141 = vector.bitcast %get3A_140 : vector<16xi32> to vector<16xi32>
        %mul3A_142 = arith.constant 256 : i32
        %mul3A_143 = vector.broadcast %mul3A_142 : i32 to vector<16xi32>
        %mul3A_144 = arith.muli %bitcast3A_138, %mul3A_143 : vector<16xi32>
        %add3A_145 = arith.addi %mul3A_144, %bitcast3A_141 : vector<16xi32>
        tpu.vector_store_idx %arg4[%add3A_145], %broadcast_in_dim3A_77 {add = true} : memref<65536xf32, #tpu.memory_space<vmem>>[vector<16xi32>], vector<16xf32>,
        %add3A_146 = arith.constant 32 : i32
        %add3A_147 = arith.addi %mul3A_123, %add3A_146 : i32
        %get3A_148 = arith.index_cast %add3A_147 : i32 to index
        %get3A_149 = tpu.vector_load %arg5[%get3A_148] {strides = array<i32>} : memref<16384xi32, #tpu.memory_space<vmem>>, vector<16xi32>,
        %bitcast3A_150 = vector.bitcast %get3A_149 : vector<16xi32> to vector<16xi32>
        %get3A_151 = arith.index_cast %add3A_147 : i32 to index
        %get3A_152 = tpu.vector_load %arg6[%get3A_151] {strides = array<i32>} : memref<16384xi32, #tpu.memory_space<vmem>>, vector<16xi32>,
        %bitcast3A_153 = vector.bitcast %get3A_152 : vector<16xi32> to vector<16xi32>
        %mul3A_154 = arith.constant 256 : i32
        %mul3A_155 = vector.broadcast %mul3A_154 : i32 to vector<16xi32>
        %mul3A_156 = arith.muli %bitcast3A_150, %mul3A_155 : vector<16xi32>
        %add3A_157 = arith.addi %mul3A_156, %bitcast3A_153 : vector<16xi32>
        tpu.vector_store_idx %arg4[%add3A_157], %broadcast_in_dim3A_77 {add = true} : memref<65536xf32, #tpu.memory_space<vmem>>[vector<16xi32>], vector<16xf32>,
        %add3A_158 = arith.constant 48 : i32
        %add3A_159 = arith.addi %mul3A_123, %add3A_158 : i32
        %get3A_160 = arith.index_cast %add3A_159 : i32 to index
        %get3A_161 = tpu.vector_load %arg5[%get3A_160] {strides = array<i32>} : memref<16384xi32, #tpu.memory_space<vmem>>, vector<16xi32>,
        %bitcast3A_162 = vector.bitcast %get3A_161 : vector<16xi32> to vector<16xi32>
        %get3A_163 = arith.index_cast %add3A_159 : i32 to index
        %get3A_164 = tpu.vector_load %arg6[%get3A_163] {strides = array<i32>} : memref<16384xi32, #tpu.memory_space<vmem>>, vector<16xi32>,
        %bitcast3A_165 = vector.bitcast %get3A_164 : vector<16xi32> to vector<16xi32>
        %mul3A_166 = arith.constant 256 : i32
        %mul3A_167 = vector.broadcast %mul3A_166 : i32 to vector<16xi32>
        %mul3A_168 = arith.muli %bitcast3A_162, %mul3A_167 : vector<16xi32>
        %add3A_169 = arith.addi %mul3A_168, %bitcast3A_165 : vector<16xi32>
        tpu.vector_store_idx %arg4[%add3A_169], %broadcast_in_dim3A_77 {add = true} : memref<65536xf32, #tpu.memory_space<vmem>>[vector<16xi32>], vector<16xf32>,
      }
      %while3A_120 = arith.constant 1 : i32
      scf.for %while3A_121 = %while3A_118 to %while3A_114 step %while3A_120  : i32 {
        %mul3A_122 = arith.constant 64 : i32
        %mul3A_123 = arith.muli %while3A_121, %mul3A_122 : i32
        %add3A_124 = arith.constant 0 : i32
        %add3A_125 = arith.addi %mul3A_123, %add3A_124 : i32
        %get3A = arith.index_cast %add3A_125 : i32 to index
        %get3A_126 = tpu.vector_load %arg5[%get3A] {strides = array<i32>} : memref<16384xi32, #tpu.memory_space<vmem>>, vector<16xi32>,
        %bitcast3A = vector.bitcast %get3A_126 : vector<16xi32> to vector<16xi32>
        %get3A_127 = arith.index_cast %add3A_125 : i32 to index
        %get3A_128 = tpu.vector_load %arg6[%get3A_127] {strides = array<i32>} : memref<16384xi32, #tpu.memory_space<vmem>>, vector<16xi32>,
        %bitcast3A_129 = vector.bitcast %get3A_128 : vector<16xi32> to vector<16xi32>
        %mul3A_130 = arith.constant 256 : i32
        %mul3A_131 = vector.broadcast %mul3A_130 : i32 to vector<16xi32>
        %mul3A_132 = arith.muli %bitcast3A, %mul3A_131 : vector<16xi32>
        %add3A_133 = arith.addi %mul3A_132, %bitcast3A_129 : vector<16xi32>
        tpu.vector_store_idx %arg4[%add3A_133], %broadcast_in_dim3A_77 {add = true} : memref<65536xf32, #tpu.memory_space<vmem>>[vector<16xi32>], vector<16xf32>,
        %add3A_134 = arith.constant 16 : i32
        %add3A_135 = arith.addi %mul3A_123, %add3A_134 : i32
        %get3A_136 = arith.index_cast %add3A_135 : i32 to index
        %get3A_137 = tpu.vector_load %arg5[%get3A_136] {strides = array<i32>} : memref<16384xi32, #tpu.memory_space<vmem>>, vector<16xi32>,
        %bitcast3A_138 = vector.bitcast %get3A_137 : vector<16xi32> to vector<16xi32>
        %get3A_139 = arith.index_cast %add3A_135 : i32 to index
        %get3A_140 = tpu.vector_load %arg6[%get3A_139] {strides = array<i32>} : memref<16384xi32, #tpu.memory_space<vmem>>, vector<16xi32>,
        %bitcast3A_141 = vector.bitcast %get3A_140 : vector<16xi32> to vector<16xi32>
        %mul3A_142 = arith.constant 256 : i32
        %mul3A_143 = vector.broadcast %mul3A_142 : i32 to vector<16xi32>
        %mul3A_144 = arith.muli %bitcast3A_138, %mul3A_143 : vector<16xi32>
        %add3A_145 = arith.addi %mul3A_144, %bitcast3A_141 : vector<16xi32>
        tpu.vector_store_idx %arg4[%add3A_145], %broadcast_in_dim3A_77 {add = true} : memref<65536xf32, #tpu.memory_space<vmem>>[vector<16xi32>], vector<16xf32>,
        %add3A_146 = arith.constant 32 : i32
        %add3A_147 = arith.addi %mul3A_123, %add3A_146 : i32
        %get3A_148 = arith.index_cast %add3A_147 : i32 to index
        %get3A_149 = tpu.vector_load %arg5[%get3A_148] {strides = array<i32>} : memref<16384xi32, #tpu.memory_space<vmem>>, vector<16xi32>,
        %bitcast3A_150 = vector.bitcast %get3A_149 : vector<16xi32> to vector<16xi32>
        %get3A_151 = arith.index_cast %add3A_147 : i32 to index
        %get3A_152 = tpu.vector_load %arg6[%get3A_151] {strides = array<i32>} : memref<16384xi32, #tpu.memory_space<vmem>>, vector<16xi32>,
        %bitcast3A_153 = vector.bitcast %get3A_152 : vector<16xi32> to vector<16xi32>
        %mul3A_154 = arith.constant 256 : i32
        %mul3A_155 = vector.broadcast %mul3A_154 : i32 to vector<16xi32>
        %mul3A_156 = arith.muli %bitcast3A_150, %mul3A_155 : vector<16xi32>
        %add3A_157 = arith.addi %mul3A_156, %bitcast3A_153 : vector<16xi32>
        tpu.vector_store_idx %arg4[%add3A_157], %broadcast_in_dim3A_77 {add = true} : memref<65536xf32, #tpu.memory_space<vmem>>[vector<16xi32>], vector<16xf32>,
        %add3A_158 = arith.constant 48 : i32
        %add3A_159 = arith.addi %mul3A_123, %add3A_158 : i32
        %get3A_160 = arith.index_cast %add3A_159 : i32 to index
        %get3A_161 = tpu.vector_load %arg5[%get3A_160] {strides = array<i32>} : memref<16384xi32, #tpu.memory_space<vmem>>, vector<16xi32>,
        %bitcast3A_162 = vector.bitcast %get3A_161 : vector<16xi32> to vector<16xi32>
        %get3A_163 = arith.index_cast %add3A_159 : i32 to index
        %get3A_164 = tpu.vector_load %arg6[%get3A_163] {strides = array<i32>} : memref<16384xi32, #tpu.memory_space<vmem>>, vector<16xi32>,
        %bitcast3A_165 = vector.bitcast %get3A_164 : vector<16xi32> to vector<16xi32>
        %mul3A_166 = arith.constant 256 : i32
        %mul3A_167 = vector.broadcast %mul3A_166 : i32 to vector<16xi32>
        %mul3A_168 = arith.muli %bitcast3A_162, %mul3A_167 : vector<16xi32>
        %add3A_169 = arith.addi %mul3A_168, %bitcast3A_165 : vector<16xi32>
        tpu.vector_store_idx %arg4[%add3A_169], %broadcast_in_dim3A_77 {add = true} : memref<65536xf32, #tpu.memory_space<vmem>>[vector<16xi32>], vector<16xf32>,
      }
    }
    "tpu.region"() ({
      %run_scoped3A = tpu.sem_alloc : memref<!tpu.dma_semaphore, #tpu.memory_space<semaphore_mem>>
      %dma_start3A = arith.constant 0 : i32
      %dma_start3A_105 = tpu.memref_slice %arg3[%mul3A_82, %dma_start3A] : memref<64x65536xf32, #tpu.memory_space<hbm>> -> memref<1x65536xf32, #tpu.memory_space<hbm>>
      %dma_start3A_106 = tpu.memref_squeeze %dma_start3A_105 : memref<1x65536xf32, #tpu.memory_space<hbm>> -> memref<65536xf32, #tpu.memory_space<hbm>>
      %dma_start3A_107 = arith.constant 0 : i32
      %dma_start3A_108 = tpu.memref_slice %arg3[%mul3A_82, %dma_start3A_107] : memref<64x65536xf32, #tpu.memory_space<hbm>> -> memref<1x65536xf32, #tpu.memory_space<hbm>>
      %dma_start3A_109 = tpu.memref_squeeze %dma_start3A_108 : memref<1x65536xf32, #tpu.memory_space<hbm>> -> memref<65536xf32, #tpu.memory_space<hbm>>
      tpu.enqueue_dma source(%arg4 : memref<65536xf32, #tpu.memory_space<vmem>>) target(%dma_start3A_109 : memref<65536xf32, #tpu.memory_space<hbm>>) target_semaphore(%run_scoped3A : memref<!tpu.dma_semaphore, #tpu.memory_space<semaphore_mem>>)
      %dma_wait3A = arith.constant 0 : i32
      %dma_wait3A_110 = tpu.memref_slice %arg3[%mul3A_82, %dma_wait3A] : memref<64x65536xf32, #tpu.memory_space<hbm>> -> memref<1x65536xf32, #tpu.memory_space<hbm>>
      %dma_wait3A_111 = tpu.memref_squeeze %dma_wait3A_110 : memref<1x65536xf32, #tpu.memory_space<hbm>> -> memref<65536xf32, #tpu.memory_space<hbm>>
      %dma_wait3A_112 = arith.constant 0 : i32
      %dma_wait3A_113 = tpu.memref_slice %arg3[%mul3A_82, %dma_wait3A_112] : memref<64x65536xf32, #tpu.memory_space<hbm>> -> memref<1x65536xf32, #tpu.memory_space<hbm>>
      %dma_wait3A_114 = tpu.memref_squeeze %dma_wait3A_113 : memref<1x65536xf32, #tpu.memory_space<hbm>> -> memref<65536xf32, #tpu.memory_space<hbm>>
      tpu.wait_dma2 semaphore(%run_scoped3A : memref<!tpu.dma_semaphore, #tpu.memory_space<semaphore_mem>>) src(%arg4 : memref<65536xf32, #tpu.memory_space<vmem>>) dst(%dma_wait3A_114 : memref<65536xf32, #tpu.memory_space<hbm>>)
      tpu.yield
    }) : () -> ()
    %gt3A = arith.constant 0 : i32
    %gt3A_103 = arith.cmpi sgt, %select_n3A_72, %gt3A : i32
    %convert_element_type3A = arith.extui %gt3A_103 : i1 to i32
    %cond3A = arith.constant 0 : i32
    %cond3A_104 = arith.cmpi ne, %convert_element_type3A, %cond3A : i32
    scf.if %cond3A_104 {
      %add3A_105 = arith.constant 1 : i32
      %add3A_106 = arith.addi %select_n3A, %add3A_105 : i32
      %mul3A_107 = arith.constant 2 : i32
      %mul3A_108 = arith.muli %add3A, %mul3A_107 : i32
      %add3A_109 = arith.constant 1 : i32
      %add3A_110 = arith.addi %mul3A_108, %add3A_109 : i32
      %while3A_111 = arith.constant 0 : i32
      %while3A_112 = arith.constant 0 : i32
      %while3A_113 = arith.constant 1024 : i32
      %while3A_114 = arith.subi %while3A_113, %while3A_112 : i32
      %while3A_115 = arith.addi %while3A_112, %while3A_114 : i32
      %while3A_116 = arith.constant 1 : i32
      %while3A_117 = arith.divsi %while3A_114, %while3A_116 : i32
      %while3A_118 = arith.muli %while3A_117, %while3A_116 : i32
      %while3A_119 = arith.addi %while3A_112, %while3A_118 : i32
      %while3A_120 = arith.constant 1 : i32
      scf.for %while3A_132 = %while3A_112 to %while3A_119 step %while3A_120  : i32 {
        %mul3A_133 = arith.constant 64 : i32
        %mul3A_134 = arith.muli %while3A_132, %mul3A_133 : i32
        %add3A_135 = arith.constant 0 : i32
        %add3A_136 = arith.addi %mul3A_134, %add3A_135 : i32
        %swap3A = arith.index_cast %add3A_136 : i32 to index
        %swap3A_137 = tpu.vector_load %arg4[%swap3A] {strides = array<i32>} : memref<65536xf32, #tpu.memory_space<vmem>>, vector<16xf32>,
        tpu.vector_store %arg4[%swap3A], %broadcast_in_dim3A_79 {strides = array<i32>} : memref<65536xf32, #tpu.memory_space<vmem>>, vector<16xf32>,
        %add3A_138 = arith.constant 16 : i32
        %add3A_139 = arith.addi %mul3A_134, %add3A_138 : i32
        %swap3A_140 = arith.index_cast %add3A_139 : i32 to index
        %swap3A_141 = tpu.vector_load %arg4[%swap3A_140] {strides = array<i32>} : memref<65536xf32, #tpu.memory_space<vmem>>, vector<16xf32>,
        tpu.vector_store %arg4[%swap3A_140], %broadcast_in_dim3A_79 {strides = array<i32>} : memref<65536xf32, #tpu.memory_space<vmem>>, vector<16xf32>,
        %add3A_142 = arith.constant 32 : i32
        %add3A_143 = arith.addi %mul3A_134, %add3A_142 : i32
        %swap3A_144 = arith.index_cast %add3A_143 : i32 to index
        %swap3A_145 = tpu.vector_load %arg4[%swap3A_144] {strides = array<i32>} : memref<65536xf32, #tpu.memory_space<vmem>>, vector<16xf32>,
        tpu.vector_store %arg4[%swap3A_144], %broadcast_in_dim3A_79 {strides = array<i32>} : memref<65536xf32, #tpu.memory_space<vmem>>, vector<16xf32>,
        %add3A_146 = arith.constant 48 : i32
        %add3A_147 = arith.addi %mul3A_134, %add3A_146 : i32
        %swap3A_148 = arith.index_cast %add3A_147 : i32 to index
        %swap3A_149 = tpu.vector_load %arg4[%swap3A_148] {strides = array<i32>} : memref<65536xf32, #tpu.memory_space<vmem>>, vector<16xf32>,
        tpu.vector_store %arg4[%swap3A_148], %broadcast_in_dim3A_79 {strides = array<i32>} : memref<65536xf32, #tpu.memory_space<vmem>>, vector<16xf32>,
      }
      %while3A_121 = arith.constant 1 : i32
      scf.for %while3A_132 = %while3A_119 to %while3A_115 step %while3A_121  : i32 {
        %mul3A_133 = arith.constant 64 : i32
        %mul3A_134 = arith.muli %while3A_132, %mul3A_133 : i32
        %add3A_135 = arith.constant 0 : i32
        %add3A_136 = arith.addi %mul3A_134, %add3A_135 : i32
        %swap3A = arith.index_cast %add3A_136 : i32 to index
        %swap3A_137 = tpu.vector_load %arg4[%swap3A] {strides = array<i32>} : memref<65536xf32, #tpu.memory_space<vmem>>, vector<16xf32>,
        tpu.vector_store %arg4[%swap3A], %broadcast_in_dim3A_79 {strides = array<i32>} : memref<65536xf32, #tpu.memory_space<vmem>>, vector<16xf32>,
        %add3A_138 = arith.constant 16 : i32
        %add3A_139 = arith.addi %mul3A_134, %add3A_138 : i32
        %swap3A_140 = arith.index_cast %add3A_139 : i32 to index
        %swap3A_141 = tpu.vector_load %arg4[%swap3A_140] {strides = array<i32>} : memref<65536xf32, #tpu.memory_space<vmem>>, vector<16xf32>,
        tpu.vector_store %arg4[%swap3A_140], %broadcast_in_dim3A_79 {strides = array<i32>} : memref<65536xf32, #tpu.memory_space<vmem>>, vector<16xf32>,
        %add3A_142 = arith.constant 32 : i32
        %add3A_143 = arith.addi %mul3A_134, %add3A_142 : i32
        %swap3A_144 = arith.index_cast %add3A_143 : i32 to index
        %swap3A_145 = tpu.vector_load %arg4[%swap3A_144] {strides = array<i32>} : memref<65536xf32, #tpu.memory_space<vmem>>, vector<16xf32>,
        tpu.vector_store %arg4[%swap3A_144], %broadcast_in_dim3A_79 {strides = array<i32>} : memref<65536xf32, #tpu.memory_space<vmem>>, vector<16xf32>,
        %add3A_146 = arith.constant 48 : i32
        %add3A_147 = arith.addi %mul3A_134, %add3A_146 : i32
        %swap3A_148 = arith.index_cast %add3A_147 : i32 to index
        %swap3A_149 = tpu.vector_load %arg4[%swap3A_148] {strides = array<i32>} : memref<65536xf32, #tpu.memory_space<vmem>>, vector<16xf32>,
        tpu.vector_store %arg4[%swap3A_148], %broadcast_in_dim3A_79 {strides = array<i32>} : memref<65536xf32, #tpu.memory_space<vmem>>, vector<16xf32>,
      }
      %while3A_122 = arith.constant 0 : i32
      %while3A_123 = arith.constant 0 : i32
      %while3A_124 = arith.subi %select_n3A_72, %while3A_123 : i32
      %while3A_125 = arith.addi %while3A_123, %while3A_124 : i32
      %while3A_126 = arith.constant 1 : i32
      %while3A_127 = arith.divsi %while3A_124, %while3A_126 : i32
      %while3A_128 = arith.muli %while3A_127, %while3A_126 : i32
      %while3A_129 = arith.addi %while3A_123, %while3A_128 : i32
      %while3A_130 = arith.constant 1 : i32
      scf.for %while3A_132 = %while3A_123 to %while3A_129 step %while3A_130  : i32 {
        %mul3A_133 = arith.constant 16384 : i32
        %mul3A_134 = arith.muli %while3A_132, %mul3A_133 : i32
        %add3A_135 = arith.addi %mul3A_74, %mul3A_134 : i32
        %run_scoped3A = arith.constant 0 : i32
        "tpu.region"() ({
          %run_scoped3A_148 = tpu.sem_alloc : memref<!tpu.dma_semaphore, #tpu.memory_space<semaphore_mem>>
          %dma_start3A = tpu.memref_slice %arg2[%add3A_106, %run_scoped3A, %add3A_135] : memref<10x2x1048576xi32, #tpu.memory_space<hbm>> -> memref<1x1x16384xi32, #tpu.memory_space<hbm>>
          %dma_start3A_149 = tpu.memref_squeeze %dma_start3A : memref<1x1x16384xi32, #tpu.memory_space<hbm>> -> memref<16384xi32, #tpu.memory_space<hbm>>
          %dma_start3A_150 = tpu.memref_slice %arg2[%add3A_106, %run_scoped3A, %add3A_135] : memref<10x2x1048576xi32, #tpu.memory_space<hbm>> -> memref<1x1x16384xi32, #tpu.memory_space<hbm>>
          %dma_start3A_151 = tpu.memref_squeeze %dma_start3A_150 : memref<1x1x16384xi32, #tpu.memory_space<hbm>> -> memref<16384xi32, #tpu.memory_space<hbm>>
          tpu.enqueue_dma source(%dma_start3A_151 : memref<16384xi32, #tpu.memory_space<hbm>>) target(%arg5 : memref<16384xi32, #tpu.memory_space<vmem>>) target_semaphore(%run_scoped3A_148 : memref<!tpu.dma_semaphore, #tpu.memory_space<semaphore_mem>>)
          %dma_wait3A = tpu.memref_slice %arg2[%add3A_106, %run_scoped3A, %add3A_135] : memref<10x2x1048576xi32, #tpu.memory_space<hbm>> -> memref<1x1x16384xi32, #tpu.memory_space<hbm>>
          %dma_wait3A_152 = tpu.memref_squeeze %dma_wait3A : memref<1x1x16384xi32, #tpu.memory_space<hbm>> -> memref<16384xi32, #tpu.memory_space<hbm>>
          %dma_wait3A_153 = tpu.memref_slice %arg2[%add3A_106, %run_scoped3A, %add3A_135] : memref<10x2x1048576xi32, #tpu.memory_space<hbm>> -> memref<1x1x16384xi32, #tpu.memory_space<hbm>>
          %dma_wait3A_154 = tpu.memref_squeeze %dma_wait3A_153 : memref<1x1x16384xi32, #tpu.memory_space<hbm>> -> memref<16384xi32, #tpu.memory_space<hbm>>
          tpu.wait_dma2 semaphore(%run_scoped3A_148 : memref<!tpu.dma_semaphore, #tpu.memory_space<semaphore_mem>>) src(%dma_wait3A_154 : memref<16384xi32, #tpu.memory_space<hbm>>) dst(%arg5 : memref<16384xi32, #tpu.memory_space<vmem>>)
          tpu.yield
        }) : () -> ()
        %run_scoped3A_136 = arith.constant 1 : i32
        "tpu.region"() ({
          %run_scoped3A_148 = tpu.sem_alloc : memref<!tpu.dma_semaphore, #tpu.memory_space<semaphore_mem>>
          %dma_start3A = tpu.memref_slice %arg2[%add3A_106, %run_scoped3A_136, %add3A_135] : memref<10x2x1048576xi32, #tpu.memory_space<hbm>> -> memref<1x1x16384xi32, #tpu.memory_space<hbm>>
          %dma_start3A_149 = tpu.memref_squeeze %dma_start3A : memref<1x1x16384xi32, #tpu.memory_space<hbm>> -> memref<16384xi32, #tpu.memory_space<hbm>>
          %dma_start3A_150 = tpu.memref_slice %arg2[%add3A_106, %run_scoped3A_136, %add3A_135] : memref<10x2x1048576xi32, #tpu.memory_space<hbm>> -> memref<1x1x16384xi32, #tpu.memory_space<hbm>>
          %dma_start3A_151 = tpu.memref_squeeze %dma_start3A_150 : memref<1x1x16384xi32, #tpu.memory_space<hbm>> -> memref<16384xi32, #tpu.memory_space<hbm>>
          tpu.enqueue_dma source(%dma_start3A_151 : memref<16384xi32, #tpu.memory_space<hbm>>) target(%arg6 : memref<16384xi32, #tpu.memory_space<vmem>>) target_semaphore(%run_scoped3A_148 : memref<!tpu.dma_semaphore, #tpu.memory_space<semaphore_mem>>)
          %dma_wait3A = tpu.memref_slice %arg2[%add3A_106, %run_scoped3A_136, %add3A_135] : memref<10x2x1048576xi32, #tpu.memory_space<hbm>> -> memref<1x1x16384xi32, #tpu.memory_space<hbm>>
          %dma_wait3A_152 = tpu.memref_squeeze %dma_wait3A : memref<1x1x16384xi32, #tpu.memory_space<hbm>> -> memref<16384xi32, #tpu.memory_space<hbm>>
          %dma_wait3A_153 = tpu.memref_slice %arg2[%add3A_106, %run_scoped3A_136, %add3A_135] : memref<10x2x1048576xi32, #tpu.memory_space<hbm>> -> memref<1x1x16384xi32, #tpu.memory_space<hbm>>
          %dma_wait3A_154 = tpu.memref_squeeze %dma_wait3A_153 : memref<1x1x16384xi32, #tpu.memory_space<hbm>> -> memref<16384xi32, #tpu.memory_space<hbm>>
          tpu.wait_dma2 semaphore(%run_scoped3A_148 : memref<!tpu.dma_semaphore, #tpu.memory_space<semaphore_mem>>) src(%dma_wait3A_154 : memref<16384xi32, #tpu.memory_space<hbm>>) dst(%arg6 : memref<16384xi32, #tpu.memory_space<vmem>>)
          tpu.yield
        }) : () -> ()
        %while3A_137 = arith.constant 0 : i32
        %while3A_138 = arith.constant 0 : i32
        %while3A_139 = arith.constant 256 : i32
        %while3A_140 = arith.subi %while3A_139, %while3A_138 : i32
        %while3A_141 = arith.addi %while3A_138, %while3A_140 : i32
        %while3A_142 = arith.constant 1 : i32
        %while3A_143 = arith.divsi %while3A_140, %while3A_142 : i32
        %while3A_144 = arith.muli %while3A_143, %while3A_142 : i32
        %while3A_145 = arith.addi %while3A_138, %while3A_144 : i32
        %while3A_146 = arith.constant 1 : i32
        scf.for %while3A_148 = %while3A_138 to %while3A_145 step %while3A_146  : i32 {
          %mul3A_149 = arith.constant 64 : i32
          %mul3A_150 = arith.muli %while3A_148, %mul3A_149 : i32
          %add3A_151 = arith.constant 0 : i32
          %add3A_152 = arith.addi %mul3A_150, %add3A_151 : i32
          %get3A = arith.index_cast %add3A_152 : i32 to index
          %get3A_153 = tpu.vector_load %arg5[%get3A] {strides = array<i32>} : memref<16384xi32, #tpu.memory_space<vmem>>, vector<16xi32>,
          %bitcast3A = vector.bitcast %get3A_153 : vector<16xi32> to vector<16xi32>
          %get3A_154 = arith.index_cast %add3A_152 : i32 to index
          %get3A_155 = tpu.vector_load %arg6[%get3A_154] {strides = array<i32>} : memref<16384xi32, #tpu.memory_space<vmem>>, vector<16xi32>,
          %bitcast3A_156 = vector.bitcast %get3A_155 : vector<16xi32> to vector<16xi32>
          %mul3A_157 = arith.constant 256 : i32
          %mul3A_158 = vector.broadcast %mul3A_157 : i32 to vector<16xi32>
          %mul3A_159 = arith.muli %bitcast3A, %mul3A_158 : vector<16xi32>
          %add3A_160 = arith.addi %mul3A_159, %bitcast3A_156 : vector<16xi32>
          tpu.vector_store_idx %arg4[%add3A_160], %broadcast_in_dim3A_77 {add = true} : memref<65536xf32, #tpu.memory_space<vmem>>[vector<16xi32>], vector<16xf32>,
          %add3A_161 = arith.constant 16 : i32
          %add3A_162 = arith.addi %mul3A_150, %add3A_161 : i32
          %get3A_163 = arith.index_cast %add3A_162 : i32 to index
          %get3A_164 = tpu.vector_load %arg5[%get3A_163] {strides = array<i32>} : memref<16384xi32, #tpu.memory_space<vmem>>, vector<16xi32>,
          %bitcast3A_165 = vector.bitcast %get3A_164 : vector<16xi32> to vector<16xi32>
          %get3A_166 = arith.index_cast %add3A_162 : i32 to index
          %get3A_167 = tpu.vector_load %arg6[%get3A_166] {strides = array<i32>} : memref<16384xi32, #tpu.memory_space<vmem>>, vector<16xi32>,
          %bitcast3A_168 = vector.bitcast %get3A_167 : vector<16xi32> to vector<16xi32>
          %mul3A_169 = arith.constant 256 : i32
          %mul3A_170 = vector.broadcast %mul3A_169 : i32 to vector<16xi32>
          %mul3A_171 = arith.muli %bitcast3A_165, %mul3A_170 : vector<16xi32>
          %add3A_172 = arith.addi %mul3A_171, %bitcast3A_168 : vector<16xi32>
          tpu.vector_store_idx %arg4[%add3A_172], %broadcast_in_dim3A_77 {add = true} : memref<65536xf32, #tpu.memory_space<vmem>>[vector<16xi32>], vector<16xf32>,
          %add3A_173 = arith.constant 32 : i32
          %add3A_174 = arith.addi %mul3A_150, %add3A_173 : i32
          %get3A_175 = arith.index_cast %add3A_174 : i32 to index
          %get3A_176 = tpu.vector_load %arg5[%get3A_175] {strides = array<i32>} : memref<16384xi32, #tpu.memory_space<vmem>>, vector<16xi32>,
          %bitcast3A_177 = vector.bitcast %get3A_176 : vector<16xi32> to vector<16xi32>
          %get3A_178 = arith.index_cast %add3A_174 : i32 to index
          %get3A_179 = tpu.vector_load %arg6[%get3A_178] {strides = array<i32>} : memref<16384xi32, #tpu.memory_space<vmem>>, vector<16xi32>,
          %bitcast3A_180 = vector.bitcast %get3A_179 : vector<16xi32> to vector<16xi32>
          %mul3A_181 = arith.constant 256 : i32
          %mul3A_182 = vector.broadcast %mul3A_181 : i32 to vector<16xi32>
          %mul3A_183 = arith.muli %bitcast3A_177, %mul3A_182 : vector<16xi32>
          %add3A_184 = arith.addi %mul3A_183, %bitcast3A_180 : vector<16xi32>
          tpu.vector_store_idx %arg4[%add3A_184], %broadcast_in_dim3A_77 {add = true} : memref<65536xf32, #tpu.memory_space<vmem>>[vector<16xi32>], vector<16xf32>,
          %add3A_185 = arith.constant 48 : i32
          %add3A_186 = arith.addi %mul3A_150, %add3A_185 : i32
          %get3A_187 = arith.index_cast %add3A_186 : i32 to index
          %get3A_188 = tpu.vector_load %arg5[%get3A_187] {strides = array<i32>} : memref<16384xi32, #tpu.memory_space<vmem>>, vector<16xi32>,
          %bitcast3A_189 = vector.bitcast %get3A_188 : vector<16xi32> to vector<16xi32>
          %get3A_190 = arith.index_cast %add3A_186 : i32 to index
          %get3A_191 = tpu.vector_load %arg6[%get3A_190] {strides = array<i32>} : memref<16384xi32, #tpu.memory_space<vmem>>, vector<16xi32>,
          %bitcast3A_192 = vector.bitcast %get3A_191 : vector<16xi32> to vector<16xi32>
          %mul3A_193 = arith.constant 256 : i32
          %mul3A_194 = vector.broadcast %mul3A_193 : i32 to vector<16xi32>
          %mul3A_195 = arith.muli %bitcast3A_189, %mul3A_194 : vector<16xi32>
          %add3A_196 = arith.addi %mul3A_195, %bitcast3A_192 : vector<16xi32>
          tpu.vector_store_idx %arg4[%add3A_196], %broadcast_in_dim3A_77 {add = true} : memref<65536xf32, #tpu.memory_space<vmem>>[vector<16xi32>], vector<16xf32>,
        }
        %while3A_147 = arith.constant 1 : i32
        scf.for %while3A_148 = %while3A_145 to %while3A_141 step %while3A_147  : i32 {
          %mul3A_149 = arith.constant 64 : i32
          %mul3A_150 = arith.muli %while3A_148, %mul3A_149 : i32
          %add3A_151 = arith.constant 0 : i32
          %add3A_152 = arith.addi %mul3A_150, %add3A_151 : i32
          %get3A = arith.index_cast %add3A_152 : i32 to index
          %get3A_153 = tpu.vector_load %arg5[%get3A] {strides = array<i32>} : memref<16384xi32, #tpu.memory_space<vmem>>, vector<16xi32>,
          %bitcast3A = vector.bitcast %get3A_153 : vector<16xi32> to vector<16xi32>
          %get3A_154 = arith.index_cast %add3A_152 : i32 to index
          %get3A_155 = tpu.vector_load %arg6[%get3A_154] {strides = array<i32>} : memref<16384xi32, #tpu.memory_space<vmem>>, vector<16xi32>,
          %bitcast3A_156 = vector.bitcast %get3A_155 : vector<16xi32> to vector<16xi32>
          %mul3A_157 = arith.constant 256 : i32
          %mul3A_158 = vector.broadcast %mul3A_157 : i32 to vector<16xi32>
          %mul3A_159 = arith.muli %bitcast3A, %mul3A_158 : vector<16xi32>
          %add3A_160 = arith.addi %mul3A_159, %bitcast3A_156 : vector<16xi32>
          tpu.vector_store_idx %arg4[%add3A_160], %broadcast_in_dim3A_77 {add = true} : memref<65536xf32, #tpu.memory_space<vmem>>[vector<16xi32>], vector<16xf32>,
          %add3A_161 = arith.constant 16 : i32
          %add3A_162 = arith.addi %mul3A_150, %add3A_161 : i32
          %get3A_163 = arith.index_cast %add3A_162 : i32 to index
          %get3A_164 = tpu.vector_load %arg5[%get3A_163] {strides = array<i32>} : memref<16384xi32, #tpu.memory_space<vmem>>, vector<16xi32>,
          %bitcast3A_165 = vector.bitcast %get3A_164 : vector<16xi32> to vector<16xi32>
          %get3A_166 = arith.index_cast %add3A_162 : i32 to index
          %get3A_167 = tpu.vector_load %arg6[%get3A_166] {strides = array<i32>} : memref<16384xi32, #tpu.memory_space<vmem>>, vector<16xi32>,
          %bitcast3A_168 = vector.bitcast %get3A_167 : vector<16xi32> to vector<16xi32>
          %mul3A_169 = arith.constant 256 : i32
          %mul3A_170 = vector.broadcast %mul3A_169 : i32 to vector<16xi32>
          %mul3A_171 = arith.muli %bitcast3A_165, %mul3A_170 : vector<16xi32>
          %add3A_172 = arith.addi %mul3A_171, %bitcast3A_168 : vector<16xi32>
          tpu.vector_store_idx %arg4[%add3A_172], %broadcast_in_dim3A_77 {add = true} : memref<65536xf32, #tpu.memory_space<vmem>>[vector<16xi32>], vector<16xf32>,
          %add3A_173 = arith.constant 32 : i32
          %add3A_174 = arith.addi %mul3A_150, %add3A_173 : i32
          %get3A_175 = arith.index_cast %add3A_174 : i32 to index
          %get3A_176 = tpu.vector_load %arg5[%get3A_175] {strides = array<i32>} : memref<16384xi32, #tpu.memory_space<vmem>>, vector<16xi32>,
          %bitcast3A_177 = vector.bitcast %get3A_176 : vector<16xi32> to vector<16xi32>
          %get3A_178 = arith.index_cast %add3A_174 : i32 to index
          %get3A_179 = tpu.vector_load %arg6[%get3A_178] {strides = array<i32>} : memref<16384xi32, #tpu.memory_space<vmem>>, vector<16xi32>,
          %bitcast3A_180 = vector.bitcast %get3A_179 : vector<16xi32> to vector<16xi32>
          %mul3A_181 = arith.constant 256 : i32
          %mul3A_182 = vector.broadcast %mul3A_181 : i32 to vector<16xi32>
          %mul3A_183 = arith.muli %bitcast3A_177, %mul3A_182 : vector<16xi32>
          %add3A_184 = arith.addi %mul3A_183, %bitcast3A_180 : vector<16xi32>
          tpu.vector_store_idx %arg4[%add3A_184], %broadcast_in_dim3A_77 {add = true} : memref<65536xf32, #tpu.memory_space<vmem>>[vector<16xi32>], vector<16xf32>,
          %add3A_185 = arith.constant 48 : i32
          %add3A_186 = arith.addi %mul3A_150, %add3A_185 : i32
          %get3A_187 = arith.index_cast %add3A_186 : i32 to index
          %get3A_188 = tpu.vector_load %arg5[%get3A_187] {strides = array<i32>} : memref<16384xi32, #tpu.memory_space<vmem>>, vector<16xi32>,
          %bitcast3A_189 = vector.bitcast %get3A_188 : vector<16xi32> to vector<16xi32>
          %get3A_190 = arith.index_cast %add3A_186 : i32 to index
          %get3A_191 = tpu.vector_load %arg6[%get3A_190] {strides = array<i32>} : memref<16384xi32, #tpu.memory_space<vmem>>, vector<16xi32>,
          %bitcast3A_192 = vector.bitcast %get3A_191 : vector<16xi32> to vector<16xi32>
          %mul3A_193 = arith.constant 256 : i32
          %mul3A_194 = vector.broadcast %mul3A_193 : i32 to vector<16xi32>
          %mul3A_195 = arith.muli %bitcast3A_189, %mul3A_194 : vector<16xi32>
          %add3A_196 = arith.addi %mul3A_195, %bitcast3A_192 : vector<16xi32>
          tpu.vector_store_idx %arg4[%add3A_196], %broadcast_in_dim3A_77 {add = true} : memref<65536xf32, #tpu.memory_space<vmem>>[vector<16xi32>], vector<16xf32>,
        }
      }
      %while3A_131 = arith.constant 1 : i32
      scf.for %while3A_132 = %while3A_129 to %while3A_125 step %while3A_131  : i32 {
        %mul3A_133 = arith.constant 16384 : i32
        %mul3A_134 = arith.muli %while3A_132, %mul3A_133 : i32
        %add3A_135 = arith.addi %mul3A_74, %mul3A_134 : i32
        %run_scoped3A = arith.constant 0 : i32
        "tpu.region"() ({
          %run_scoped3A_148 = tpu.sem_alloc : memref<!tpu.dma_semaphore, #tpu.memory_space<semaphore_mem>>
          %dma_start3A = tpu.memref_slice %arg2[%add3A_106, %run_scoped3A, %add3A_135] : memref<10x2x1048576xi32, #tpu.memory_space<hbm>> -> memref<1x1x16384xi32, #tpu.memory_space<hbm>>
          %dma_start3A_149 = tpu.memref_squeeze %dma_start3A : memref<1x1x16384xi32, #tpu.memory_space<hbm>> -> memref<16384xi32, #tpu.memory_space<hbm>>
          %dma_start3A_150 = tpu.memref_slice %arg2[%add3A_106, %run_scoped3A, %add3A_135] : memref<10x2x1048576xi32, #tpu.memory_space<hbm>> -> memref<1x1x16384xi32, #tpu.memory_space<hbm>>
          %dma_start3A_151 = tpu.memref_squeeze %dma_start3A_150 : memref<1x1x16384xi32, #tpu.memory_space<hbm>> -> memref<16384xi32, #tpu.memory_space<hbm>>
          tpu.enqueue_dma source(%dma_start3A_151 : memref<16384xi32, #tpu.memory_space<hbm>>) target(%arg5 : memref<16384xi32, #tpu.memory_space<vmem>>) target_semaphore(%run_scoped3A_148 : memref<!tpu.dma_semaphore, #tpu.memory_space<semaphore_mem>>)
          %dma_wait3A = tpu.memref_slice %arg2[%add3A_106, %run_scoped3A, %add3A_135] : memref<10x2x1048576xi32, #tpu.memory_space<hbm>> -> memref<1x1x16384xi32, #tpu.memory_space<hbm>>
          %dma_wait3A_152 = tpu.memref_squeeze %dma_wait3A : memref<1x1x16384xi32, #tpu.memory_space<hbm>> -> memref<16384xi32, #tpu.memory_space<hbm>>
          %dma_wait3A_153 = tpu.memref_slice %arg2[%add3A_106, %run_scoped3A, %add3A_135] : memref<10x2x1048576xi32, #tpu.memory_space<hbm>> -> memref<1x1x16384xi32, #tpu.memory_space<hbm>>
          %dma_wait3A_154 = tpu.memref_squeeze %dma_wait3A_153 : memref<1x1x16384xi32, #tpu.memory_space<hbm>> -> memref<16384xi32, #tpu.memory_space<hbm>>
          tpu.wait_dma2 semaphore(%run_scoped3A_148 : memref<!tpu.dma_semaphore, #tpu.memory_space<semaphore_mem>>) src(%dma_wait3A_154 : memref<16384xi32, #tpu.memory_space<hbm>>) dst(%arg5 : memref<16384xi32, #tpu.memory_space<vmem>>)
          tpu.yield
        }) : () -> ()
        %run_scoped3A_136 = arith.constant 1 : i32
        "tpu.region"() ({
          %run_scoped3A_148 = tpu.sem_alloc : memref<!tpu.dma_semaphore, #tpu.memory_space<semaphore_mem>>
          %dma_start3A = tpu.memref_slice %arg2[%add3A_106, %run_scoped3A_136, %add3A_135] : memref<10x2x1048576xi32, #tpu.memory_space<hbm>> -> memref<1x1x16384xi32, #tpu.memory_space<hbm>>
          %dma_start3A_149 = tpu.memref_squeeze %dma_start3A : memref<1x1x16384xi32, #tpu.memory_space<hbm>> -> memref<16384xi32, #tpu.memory_space<hbm>>
          %dma_start3A_150 = tpu.memref_slice %arg2[%add3A_106, %run_scoped3A_136, %add3A_135] : memref<10x2x1048576xi32, #tpu.memory_space<hbm>> -> memref<1x1x16384xi32, #tpu.memory_space<hbm>>
          %dma_start3A_151 = tpu.memref_squeeze %dma_start3A_150 : memref<1x1x16384xi32, #tpu.memory_space<hbm>> -> memref<16384xi32, #tpu.memory_space<hbm>>
          tpu.enqueue_dma source(%dma_start3A_151 : memref<16384xi32, #tpu.memory_space<hbm>>) target(%arg6 : memref<16384xi32, #tpu.memory_space<vmem>>) target_semaphore(%run_scoped3A_148 : memref<!tpu.dma_semaphore, #tpu.memory_space<semaphore_mem>>)
          %dma_wait3A = tpu.memref_slice %arg2[%add3A_106, %run_scoped3A_136, %add3A_135] : memref<10x2x1048576xi32, #tpu.memory_space<hbm>> -> memref<1x1x16384xi32, #tpu.memory_space<hbm>>
          %dma_wait3A_152 = tpu.memref_squeeze %dma_wait3A : memref<1x1x16384xi32, #tpu.memory_space<hbm>> -> memref<16384xi32, #tpu.memory_space<hbm>>
          %dma_wait3A_153 = tpu.memref_slice %arg2[%add3A_106, %run_scoped3A_136, %add3A_135] : memref<10x2x1048576xi32, #tpu.memory_space<hbm>> -> memref<1x1x16384xi32, #tpu.memory_space<hbm>>
          %dma_wait3A_154 = tpu.memref_squeeze %dma_wait3A_153 : memref<1x1x16384xi32, #tpu.memory_space<hbm>> -> memref<16384xi32, #tpu.memory_space<hbm>>
          tpu.wait_dma2 semaphore(%run_scoped3A_148 : memref<!tpu.dma_semaphore, #tpu.memory_space<semaphore_mem>>) src(%dma_wait3A_154 : memref<16384xi32, #tpu.memory_space<hbm>>) dst(%arg6 : memref<16384xi32, #tpu.memory_space<vmem>>)
          tpu.yield
        }) : () -> ()
        %while3A_137 = arith.constant 0 : i32
        %while3A_138 = arith.constant 0 : i32
        %while3A_139 = arith.constant 256 : i32
        %while3A_140 = arith.subi %while3A_139, %while3A_138 : i32
        %while3A_141 = arith.addi %while3A_138, %while3A_140 : i32
        %while3A_142 = arith.constant 1 : i32
        %while3A_143 = arith.divsi %while3A_140, %while3A_142 : i32
        %while3A_144 = arith.muli %while3A_143, %while3A_142 : i32
        %while3A_145 = arith.addi %while3A_138, %while3A_144 : i32
        %while3A_146 = arith.constant 1 : i32
        scf.for %while3A_148 = %while3A_138 to %while3A_145 step %while3A_146  : i32 {
          %mul3A_149 = arith.constant 64 : i32
          %mul3A_150 = arith.muli %while3A_148, %mul3A_149 : i32
          %add3A_151 = arith.constant 0 : i32
          %add3A_152 = arith.addi %mul3A_150, %add3A_151 : i32
          %get3A = arith.index_cast %add3A_152 : i32 to index
          %get3A_153 = tpu.vector_load %arg5[%get3A] {strides = array<i32>} : memref<16384xi32, #tpu.memory_space<vmem>>, vector<16xi32>,
          %bitcast3A = vector.bitcast %get3A_153 : vector<16xi32> to vector<16xi32>
          %get3A_154 = arith.index_cast %add3A_152 : i32 to index
          %get3A_155 = tpu.vector_load %arg6[%get3A_154] {strides = array<i32>} : memref<16384xi32, #tpu.memory_space<vmem>>, vector<16xi32>,
          %bitcast3A_156 = vector.bitcast %get3A_155 : vector<16xi32> to vector<16xi32>
          %mul3A_157 = arith.constant 256 : i32
          %mul3A_158 = vector.broadcast %mul3A_157 : i32 to vector<16xi32>
          %mul3A_159 = arith.muli %bitcast3A, %mul3A_158 : vector<16xi32>
          %add3A_160 = arith.addi %mul3A_159, %bitcast3A_156 : vector<16xi32>
          tpu.vector_store_idx %arg4[%add3A_160], %broadcast_in_dim3A_77 {add = true} : memref<65536xf32, #tpu.memory_space<vmem>>[vector<16xi32>], vector<16xf32>,
          %add3A_161 = arith.constant 16 : i32
          %add3A_162 = arith.addi %mul3A_150, %add3A_161 : i32
          %get3A_163 = arith.index_cast %add3A_162 : i32 to index
          %get3A_164 = tpu.vector_load %arg5[%get3A_163] {strides = array<i32>} : memref<16384xi32, #tpu.memory_space<vmem>>, vector<16xi32>,
          %bitcast3A_165 = vector.bitcast %get3A_164 : vector<16xi32> to vector<16xi32>
          %get3A_166 = arith.index_cast %add3A_162 : i32 to index
          %get3A_167 = tpu.vector_load %arg6[%get3A_166] {strides = array<i32>} : memref<16384xi32, #tpu.memory_space<vmem>>, vector<16xi32>,
          %bitcast3A_168 = vector.bitcast %get3A_167 : vector<16xi32> to vector<16xi32>
          %mul3A_169 = arith.constant 256 : i32
          %mul3A_170 = vector.broadcast %mul3A_169 : i32 to vector<16xi32>
          %mul3A_171 = arith.muli %bitcast3A_165, %mul3A_170 : vector<16xi32>
          %add3A_172 = arith.addi %mul3A_171, %bitcast3A_168 : vector<16xi32>
          tpu.vector_store_idx %arg4[%add3A_172], %broadcast_in_dim3A_77 {add = true} : memref<65536xf32, #tpu.memory_space<vmem>>[vector<16xi32>], vector<16xf32>,
          %add3A_173 = arith.constant 32 : i32
          %add3A_174 = arith.addi %mul3A_150, %add3A_173 : i32
          %get3A_175 = arith.index_cast %add3A_174 : i32 to index
          %get3A_176 = tpu.vector_load %arg5[%get3A_175] {strides = array<i32>} : memref<16384xi32, #tpu.memory_space<vmem>>, vector<16xi32>,
          %bitcast3A_177 = vector.bitcast %get3A_176 : vector<16xi32> to vector<16xi32>
          %get3A_178 = arith.index_cast %add3A_174 : i32 to index
          %get3A_179 = tpu.vector_load %arg6[%get3A_178] {strides = array<i32>} : memref<16384xi32, #tpu.memory_space<vmem>>, vector<16xi32>,
          %bitcast3A_180 = vector.bitcast %get3A_179 : vector<16xi32> to vector<16xi32>
          %mul3A_181 = arith.constant 256 : i32
          %mul3A_182 = vector.broadcast %mul3A_181 : i32 to vector<16xi32>
          %mul3A_183 = arith.muli %bitcast3A_177, %mul3A_182 : vector<16xi32>
          %add3A_184 = arith.addi %mul3A_183, %bitcast3A_180 : vector<16xi32>
          tpu.vector_store_idx %arg4[%add3A_184], %broadcast_in_dim3A_77 {add = true} : memref<65536xf32, #tpu.memory_space<vmem>>[vector<16xi32>], vector<16xf32>,
          %add3A_185 = arith.constant 48 : i32
          %add3A_186 = arith.addi %mul3A_150, %add3A_185 : i32
          %get3A_187 = arith.index_cast %add3A_186 : i32 to index
          %get3A_188 = tpu.vector_load %arg5[%get3A_187] {strides = array<i32>} : memref<16384xi32, #tpu.memory_space<vmem>>, vector<16xi32>,
          %bitcast3A_189 = vector.bitcast %get3A_188 : vector<16xi32> to vector<16xi32>
          %get3A_190 = arith.index_cast %add3A_186 : i32 to index
          %get3A_191 = tpu.vector_load %arg6[%get3A_190] {strides = array<i32>} : memref<16384xi32, #tpu.memory_space<vmem>>, vector<16xi32>,
          %bitcast3A_192 = vector.bitcast %get3A_191 : vector<16xi32> to vector<16xi32>
          %mul3A_193 = arith.constant 256 : i32
          %mul3A_194 = vector.broadcast %mul3A_193 : i32 to vector<16xi32>
          %mul3A_195 = arith.muli %bitcast3A_189, %mul3A_194 : vector<16xi32>
          %add3A_196 = arith.addi %mul3A_195, %bitcast3A_192 : vector<16xi32>
          tpu.vector_store_idx %arg4[%add3A_196], %broadcast_in_dim3A_77 {add = true} : memref<65536xf32, #tpu.memory_space<vmem>>[vector<16xi32>], vector<16xf32>,
        }
        %while3A_147 = arith.constant 1 : i32
        scf.for %while3A_148 = %while3A_145 to %while3A_141 step %while3A_147  : i32 {
          %mul3A_149 = arith.constant 64 : i32
          %mul3A_150 = arith.muli %while3A_148, %mul3A_149 : i32
          %add3A_151 = arith.constant 0 : i32
          %add3A_152 = arith.addi %mul3A_150, %add3A_151 : i32
          %get3A = arith.index_cast %add3A_152 : i32 to index
          %get3A_153 = tpu.vector_load %arg5[%get3A] {strides = array<i32>} : memref<16384xi32, #tpu.memory_space<vmem>>, vector<16xi32>,
          %bitcast3A = vector.bitcast %get3A_153 : vector<16xi32> to vector<16xi32>
          %get3A_154 = arith.index_cast %add3A_152 : i32 to index
          %get3A_155 = tpu.vector_load %arg6[%get3A_154] {strides = array<i32>} : memref<16384xi32, #tpu.memory_space<vmem>>, vector<16xi32>,
          %bitcast3A_156 = vector.bitcast %get3A_155 : vector<16xi32> to vector<16xi32>
          %mul3A_157 = arith.constant 256 : i32
          %mul3A_158 = vector.broadcast %mul3A_157 : i32 to vector<16xi32>
          %mul3A_159 = arith.muli %bitcast3A, %mul3A_158 : vector<16xi32>
          %add3A_160 = arith.addi %mul3A_159, %bitcast3A_156 : vector<16xi32>
          tpu.vector_store_idx %arg4[%add3A_160], %broadcast_in_dim3A_77 {add = true} : memref<65536xf32, #tpu.memory_space<vmem>>[vector<16xi32>], vector<16xf32>,
          %add3A_161 = arith.constant 16 : i32
          %add3A_162 = arith.addi %mul3A_150, %add3A_161 : i32
          %get3A_163 = arith.index_cast %add3A_162 : i32 to index
          %get3A_164 = tpu.vector_load %arg5[%get3A_163] {strides = array<i32>} : memref<16384xi32, #tpu.memory_space<vmem>>, vector<16xi32>,
          %bitcast3A_165 = vector.bitcast %get3A_164 : vector<16xi32> to vector<16xi32>
          %get3A_166 = arith.index_cast %add3A_162 : i32 to index
          %get3A_167 = tpu.vector_load %arg6[%get3A_166] {strides = array<i32>} : memref<16384xi32, #tpu.memory_space<vmem>>, vector<16xi32>,
          %bitcast3A_168 = vector.bitcast %get3A_167 : vector<16xi32> to vector<16xi32>
          %mul3A_169 = arith.constant 256 : i32
          %mul3A_170 = vector.broadcast %mul3A_169 : i32 to vector<16xi32>
          %mul3A_171 = arith.muli %bitcast3A_165, %mul3A_170 : vector<16xi32>
          %add3A_172 = arith.addi %mul3A_171, %bitcast3A_168 : vector<16xi32>
          tpu.vector_store_idx %arg4[%add3A_172], %broadcast_in_dim3A_77 {add = true} : memref<65536xf32, #tpu.memory_space<vmem>>[vector<16xi32>], vector<16xf32>,
          %add3A_173 = arith.constant 32 : i32
          %add3A_174 = arith.addi %mul3A_150, %add3A_173 : i32
          %get3A_175 = arith.index_cast %add3A_174 : i32 to index
          %get3A_176 = tpu.vector_load %arg5[%get3A_175] {strides = array<i32>} : memref<16384xi32, #tpu.memory_space<vmem>>, vector<16xi32>,
          %bitcast3A_177 = vector.bitcast %get3A_176 : vector<16xi32> to vector<16xi32>
          %get3A_178 = arith.index_cast %add3A_174 : i32 to index
          %get3A_179 = tpu.vector_load %arg6[%get3A_178] {strides = array<i32>} : memref<16384xi32, #tpu.memory_space<vmem>>, vector<16xi32>,
          %bitcast3A_180 = vector.bitcast %get3A_179 : vector<16xi32> to vector<16xi32>
          %mul3A_181 = arith.constant 256 : i32
          %mul3A_182 = vector.broadcast %mul3A_181 : i32 to vector<16xi32>
          %mul3A_183 = arith.muli %bitcast3A_177, %mul3A_182 : vector<16xi32>
          %add3A_184 = arith.addi %mul3A_183, %bitcast3A_180 : vector<16xi32>
          tpu.vector_store_idx %arg4[%add3A_184], %broadcast_in_dim3A_77 {add = true} : memref<65536xf32, #tpu.memory_space<vmem>>[vector<16xi32>], vector<16xf32>,
          %add3A_185 = arith.constant 48 : i32
          %add3A_186 = arith.addi %mul3A_150, %add3A_185 : i32
          %get3A_187 = arith.index_cast %add3A_186 : i32 to index
          %get3A_188 = tpu.vector_load %arg5[%get3A_187] {strides = array<i32>} : memref<16384xi32, #tpu.memory_space<vmem>>, vector<16xi32>,
          %bitcast3A_189 = vector.bitcast %get3A_188 : vector<16xi32> to vector<16xi32>
          %get3A_190 = arith.index_cast %add3A_186 : i32 to index
          %get3A_191 = tpu.vector_load %arg6[%get3A_190] {strides = array<i32>} : memref<16384xi32, #tpu.memory_space<vmem>>, vector<16xi32>,
          %bitcast3A_192 = vector.bitcast %get3A_191 : vector<16xi32> to vector<16xi32>
          %mul3A_193 = arith.constant 256 : i32
          %mul3A_194 = vector.broadcast %mul3A_193 : i32 to vector<16xi32>
          %mul3A_195 = arith.muli %bitcast3A_189, %mul3A_194 : vector<16xi32>
          %add3A_196 = arith.addi %mul3A_195, %bitcast3A_192 : vector<16xi32>
          tpu.vector_store_idx %arg4[%add3A_196], %broadcast_in_dim3A_77 {add = true} : memref<65536xf32, #tpu.memory_space<vmem>>[vector<16xi32>], vector<16xf32>,
        }
      }
      "tpu.region"() ({
        %run_scoped3A = tpu.sem_alloc : memref<!tpu.dma_semaphore, #tpu.memory_space<semaphore_mem>>
        %dma_start3A = arith.constant 0 : i32
        %dma_start3A_132 = tpu.memref_slice %arg3[%add3A_110, %dma_start3A] : memref<64x65536xf32, #tpu.memory_space<hbm>> -> memref<1x65536xf32, #tpu.memory_space<hbm>>
        %dma_start3A_133 = tpu.memref_squeeze %dma_start3A_132 : memref<1x65536xf32, #tpu.memory_space<hbm>> -> memref<65536xf32, #tpu.memory_space<hbm>>
        %dma_start3A_134 = arith.constant 0 : i32
        %dma_start3A_135 = tpu.memref_slice %arg3[%add3A_110, %dma_start3A_134] : memref<64x65536xf32, #tpu.memory_space<hbm>> -> memref<1x65536xf32, #tpu.memory_space<hbm>>
        %dma_start3A_136 = tpu.memref_squeeze %dma_start3A_135 : memref<1x65536xf32, #tpu.memory_space<hbm>> -> memref<65536xf32, #tpu.memory_space<hbm>>
        tpu.enqueue_dma source(%arg4 : memref<65536xf32, #tpu.memory_space<vmem>>) target(%dma_start3A_136 : memref<65536xf32, #tpu.memory_space<hbm>>) target_semaphore(%run_scoped3A : memref<!tpu.dma_semaphore, #tpu.memory_space<semaphore_mem>>)
        %dma_wait3A = arith.constant 0 : i32
        %dma_wait3A_137 = tpu.memref_slice %arg3[%add3A_110, %dma_wait3A] : memref<64x65536xf32, #tpu.memory_space<hbm>> -> memref<1x65536xf32, #tpu.memory_space<hbm>>
        %dma_wait3A_138 = tpu.memref_squeeze %dma_wait3A_137 : memref<1x65536xf32, #tpu.memory_space<hbm>> -> memref<65536xf32, #tpu.memory_space<hbm>>
        %dma_wait3A_139 = arith.constant 0 : i32
        %dma_wait3A_140 = tpu.memref_slice %arg3[%add3A_110, %dma_wait3A_139] : memref<64x65536xf32, #tpu.memory_space<hbm>> -> memref<1x65536xf32, #tpu.memory_space<hbm>>
        %dma_wait3A_141 = tpu.memref_squeeze %dma_wait3A_140 : memref<1x65536xf32, #tpu.memory_space<hbm>> -> memref<65536xf32, #tpu.memory_space<hbm>>
        tpu.wait_dma2 semaphore(%run_scoped3A : memref<!tpu.dma_semaphore, #tpu.memory_space<semaphore_mem>>) src(%arg4 : memref<65536xf32, #tpu.memory_space<vmem>>) dst(%dma_wait3A_141 : memref<65536xf32, #tpu.memory_space<hbm>>)
        tpu.yield
      }) : () -> ()
    } else {
    }
    return
  }
}

module attributes {stable_mosaic.version = 14 : i64} {
  func.func @_tc_entropy_body(%arg0: memref<64x256x256xf32, #tpu.memory_space<vmem>>, %arg1: memref<1xf32, #tpu.memory_space<smem>>, %arg2: memref<1xf32, #tpu.memory_space<smem>>, %arg3: memref<1xf32, #tpu.memory_space<smem>>) attributes {dimension_semantics = [], scalar_prefetch = 0 : i64, scratch_operands = 0 : i64, tpu.core_type = #tpu.core_type<tc>} {
    %get3A = arith.constant 0 : index
    %get3A_0 = arith.constant 0 : index
    %get3A_1 = arith.constant 0 : index
    %get3A_2 = vector.load %arg0[%get3A, %get3A_0, %get3A_1] : memref<64x256x256xf32, #tpu.memory_space<vmem>>, vector<1x256x256xf32>
    %get3A_3 = vector.shape_cast %get3A_2 : vector<1x256x256xf32> to vector<256x256xf32>
    %get3A_4 = arith.constant 2 : index
    %get3A_5 = arith.constant 0 : index
    %get3A_6 = arith.constant 0 : index
    %get3A_7 = vector.load %arg0[%get3A_4, %get3A_5, %get3A_6] : memref<64x256x256xf32, #tpu.memory_space<vmem>>, vector<1x256x256xf32>
    %get3A_8 = vector.shape_cast %get3A_7 : vector<1x256x256xf32> to vector<256x256xf32>
    %add3A = arith.addf %get3A_3, %get3A_8 : vector<256x256xf32>
    %get3A_9 = arith.constant 32 : index
    %get3A_10 = arith.constant 0 : index
    %get3A_11 = arith.constant 0 : index
    %get3A_12 = vector.load %arg0[%get3A_9, %get3A_10, %get3A_11] : memref<64x256x256xf32, #tpu.memory_space<vmem>>, vector<1x256x256xf32>
    %get3A_13 = vector.shape_cast %get3A_12 : vector<1x256x256xf32> to vector<256x256xf32>
    %add3A_14 = arith.addf %add3A, %get3A_13 : vector<256x256xf32>
    %get3A_15 = arith.constant 34 : index
    %get3A_16 = arith.constant 0 : index
    %get3A_17 = arith.constant 0 : index
    %get3A_18 = vector.load %arg0[%get3A_15, %get3A_16, %get3A_17] : memref<64x256x256xf32, #tpu.memory_space<vmem>>, vector<1x256x256xf32>
    %get3A_19 = vector.shape_cast %get3A_18 : vector<1x256x256xf32> to vector<256x256xf32>
    %add3A_20 = arith.addf %add3A_14, %get3A_19 : vector<256x256xf32>
    %reduce_sum3A = vector.shape_cast %add3A_20 : vector<256x256xf32> to vector<1x256x256xf32>
    %reduce_sum3A_21 = arith.constant dense<0.000000e+00> : vector<1xf32>
    %reduce_sum3A_22 = vector.multi_reduction <add>, %reduce_sum3A, %reduce_sum3A_21 [1, 2] : vector<1x256x256xf32> to vector<1xf32>
    %reduce_sum3A_23 = vector.shape_cast %reduce_sum3A_22 : vector<1xf32> to vector<1x1x1xf32>
    %reduce_sum3A_24 = vector.extract %reduce_sum3A_23[0, 0, 0] : f32 from vector<1x1x1xf32>
    %reduce_sum3A_25 = arith.constant dense<0.000000e+00> : vector<256xf32>
    %reduce_sum3A_26 = vector.multi_reduction <add>, %add3A_20, %reduce_sum3A_25 [1] : vector<256x256xf32> to vector<256xf32>
    %reduce_sum3A_27 = arith.constant dense<0.000000e+00> : vector<256xf32>
    %reduce_sum3A_28 = vector.multi_reduction <add>, %add3A_20, %reduce_sum3A_27 [0] : vector<256x256xf32> to vector<256xf32>
    %div3A = vector.broadcast %reduce_sum3A_24 : f32 to vector<256x256xf32>
    %div3A_29 = arith.divf %add3A_20, %div3A : vector<256x256xf32>
    %add3A_30 = arith.constant 1.000000e-10 : f32
    %add3A_31 = vector.broadcast %add3A_30 : f32 to vector<256x256xf32>
    %add3A_32 = arith.addf %div3A_29, %add3A_31 : vector<256x256xf32>
    %log3A = math.log %add3A_32 : vector<256x256xf32>
    %log3A_33 = arith.constant 2.000000e+00 : f32
    %log3A_34 = math.log %log3A_33 : f32
    %div3A_35 = vector.broadcast %log3A_34 : f32 to vector<256x256xf32>
    %div3A_36 = arith.divf %log3A, %div3A_35 : vector<256x256xf32>
    %mul3A = arith.mulf %div3A_29, %div3A_36 : vector<256x256xf32>
    %reduce_sum3A_37 = vector.shape_cast %mul3A : vector<256x256xf32> to vector<1x256x256xf32>
    %reduce_sum3A_38 = arith.constant dense<0.000000e+00> : vector<1xf32>
    %reduce_sum3A_39 = vector.multi_reduction <add>, %reduce_sum3A_37, %reduce_sum3A_38 [1, 2] : vector<1x256x256xf32> to vector<1xf32>
    %reduce_sum3A_40 = vector.shape_cast %reduce_sum3A_39 : vector<1xf32> to vector<1x1x1xf32>
    %reduce_sum3A_41 = vector.extract %reduce_sum3A_40[0, 0, 0] : f32 from vector<1x1x1xf32>
    %neg3A = arith.constant 0.000000e+00 : f32
    %neg3A_42 = arith.subf %neg3A, %reduce_sum3A_41 : f32
    %div3A_43 = vector.broadcast %reduce_sum3A_24 : f32 to vector<256xf32>
    %div3A_44 = arith.divf %reduce_sum3A_26, %div3A_43 : vector<256xf32>
    %div3A_45 = vector.broadcast %reduce_sum3A_24 : f32 to vector<256xf32>
    %div3A_46 = arith.divf %reduce_sum3A_28, %div3A_45 : vector<256xf32>
    %add3A_47 = arith.constant 1.000000e-10 : f32
    %add3A_48 = vector.broadcast %add3A_47 : f32 to vector<256xf32>
    %add3A_49 = arith.addf %div3A_44, %add3A_48 : vector<256xf32>
    %log3A_50 = math.log %add3A_49 : vector<256xf32>
    %log3A_51 = arith.constant 2.000000e+00 : f32
    %log3A_52 = math.log %log3A_51 : f32
    %div3A_53 = vector.broadcast %log3A_52 : f32 to vector<256xf32>
    %div3A_54 = arith.divf %log3A_50, %div3A_53 : vector<256xf32>
    %mul3A_55 = arith.mulf %div3A_44, %div3A_54 : vector<256xf32>
    %reduce_sum3A_56 = vector.shape_cast %mul3A_55 : vector<256xf32> to vector<1x256xf32>
    %reduce_sum3A_57 = arith.constant dense<0.000000e+00> : vector<1xf32>
    %reduce_sum3A_58 = vector.multi_reduction <add>, %reduce_sum3A_56, %reduce_sum3A_57 [1] : vector<1x256xf32> to vector<1xf32>
    %reduce_sum3A_59 = vector.shape_cast %reduce_sum3A_58 : vector<1xf32> to vector<1x1xf32>
    %reduce_sum3A_60 = vector.extract %reduce_sum3A_59[0, 0] : f32 from vector<1x1xf32>
    %neg3A_61 = arith.constant 0.000000e+00 : f32
    %neg3A_62 = arith.subf %neg3A_61, %reduce_sum3A_60 : f32
    %add3A_63 = arith.constant 1.000000e-10 : f32
    %add3A_64 = vector.broadcast %add3A_63 : f32 to vector<256xf32>
    %add3A_65 = arith.addf %div3A_46, %add3A_64 : vector<256xf32>
    %log3A_66 = math.log %add3A_65 : vector<256xf32>
    %log3A_67 = arith.constant 2.000000e+00 : f32
    %log3A_68 = math.log %log3A_67 : f32
    %div3A_69 = vector.broadcast %log3A_68 : f32 to vector<256xf32>
    %div3A_70 = arith.divf %log3A_66, %div3A_69 : vector<256xf32>
    %mul3A_71 = arith.mulf %div3A_46, %div3A_70 : vector<256xf32>
    %reduce_sum3A_72 = vector.shape_cast %mul3A_71 : vector<256xf32> to vector<1x256xf32>
    %reduce_sum3A_73 = arith.constant dense<0.000000e+00> : vector<1xf32>
    %reduce_sum3A_74 = vector.multi_reduction <add>, %reduce_sum3A_72, %reduce_sum3A_73 [1] : vector<1x256xf32> to vector<1xf32>
    %reduce_sum3A_75 = vector.shape_cast %reduce_sum3A_74 : vector<1xf32> to vector<1x1xf32>
    %reduce_sum3A_76 = vector.extract %reduce_sum3A_75[0, 0] : f32 from vector<1x1xf32>
    %sub3A = arith.subf %neg3A_62, %reduce_sum3A_76 : f32
    %sub3A_77 = arith.subf %sub3A, %neg3A_42 : f32
    %div3A_78 = arith.divf %sub3A_77, %sub3A : f32
    %add3A_79 = arith.constant 0.000000e+00 : f32
    %add3A_80 = arith.addf %add3A_79, %div3A_78 : f32
    %add3A_81 = arith.constant 0.000000e+00 : f32
    %add3A_82 = arith.addf %add3A_81, %sub3A : f32
    %add3A_83 = arith.constant 0.000000e+00 : f32
    %add3A_84 = arith.addf %add3A_83, %neg3A_42 : f32
    %get3A_85 = arith.constant 3 : index
    %get3A_86 = arith.constant 0 : index
    %get3A_87 = arith.constant 0 : index
    %get3A_88 = vector.load %arg0[%get3A_85, %get3A_86, %get3A_87] : memref<64x256x256xf32, #tpu.memory_space<vmem>>, vector<1x256x256xf32>
    %get3A_89 = vector.shape_cast %get3A_88 : vector<1x256x256xf32> to vector<256x256xf32>
    %get3A_90 = arith.constant 4 : index
    %get3A_91 = arith.constant 0 : index
    %get3A_92 = arith.constant 0 : index
    %get3A_93 = vector.load %arg0[%get3A_90, %get3A_91, %get3A_92] : memref<64x256x256xf32, #tpu.memory_space<vmem>>, vector<1x256x256xf32>
    %get3A_94 = vector.shape_cast %get3A_93 : vector<1x256x256xf32> to vector<256x256xf32>
    %add3A_95 = arith.addf %get3A_89, %get3A_94 : vector<256x256xf32>
    %get3A_96 = arith.constant 6 : index
    %get3A_97 = arith.constant 0 : index
    %get3A_98 = arith.constant 0 : index
    %get3A_99 = vector.load %arg0[%get3A_96, %get3A_97, %get3A_98] : memref<64x256x256xf32, #tpu.memory_space<vmem>>, vector<1x256x256xf32>
    %get3A_100 = vector.shape_cast %get3A_99 : vector<1x256x256xf32> to vector<256x256xf32>
    %add3A_101 = arith.addf %add3A_95, %get3A_100 : vector<256x256xf32>
    %get3A_102 = arith.constant 35 : index
    %get3A_103 = arith.constant 0 : index
    %get3A_104 = arith.constant 0 : index
    %get3A_105 = vector.load %arg0[%get3A_102, %get3A_103, %get3A_104] : memref<64x256x256xf32, #tpu.memory_space<vmem>>, vector<1x256x256xf32>
    %get3A_106 = vector.shape_cast %get3A_105 : vector<1x256x256xf32> to vector<256x256xf32>
    %add3A_107 = arith.addf %add3A_101, %get3A_106 : vector<256x256xf32>
    %get3A_108 = arith.constant 36 : index
    %get3A_109 = arith.constant 0 : index
    %get3A_110 = arith.constant 0 : index
    %get3A_111 = vector.load %arg0[%get3A_108, %get3A_109, %get3A_110] : memref<64x256x256xf32, #tpu.memory_space<vmem>>, vector<1x256x256xf32>
    %get3A_112 = vector.shape_cast %get3A_111 : vector<1x256x256xf32> to vector<256x256xf32>
    %add3A_113 = arith.addf %add3A_107, %get3A_112 : vector<256x256xf32>
    %get3A_114 = arith.constant 38 : index
    %get3A_115 = arith.constant 0 : index
    %get3A_116 = arith.constant 0 : index
    %get3A_117 = vector.load %arg0[%get3A_114, %get3A_115, %get3A_116] : memref<64x256x256xf32, #tpu.memory_space<vmem>>, vector<1x256x256xf32>
    %get3A_118 = vector.shape_cast %get3A_117 : vector<1x256x256xf32> to vector<256x256xf32>
    %add3A_119 = arith.addf %add3A_113, %get3A_118 : vector<256x256xf32>
    %reduce_sum3A_120 = vector.shape_cast %add3A_119 : vector<256x256xf32> to vector<1x256x256xf32>
    %reduce_sum3A_121 = arith.constant dense<0.000000e+00> : vector<1xf32>
    %reduce_sum3A_122 = vector.multi_reduction <add>, %reduce_sum3A_120, %reduce_sum3A_121 [1, 2] : vector<1x256x256xf32> to vector<1xf32>
    %reduce_sum3A_123 = vector.shape_cast %reduce_sum3A_122 : vector<1xf32> to vector<1x1x1xf32>
    %reduce_sum3A_124 = vector.extract %reduce_sum3A_123[0, 0, 0] : f32 from vector<1x1x1xf32>
    %reduce_sum3A_125 = arith.constant dense<0.000000e+00> : vector<256xf32>
    %reduce_sum3A_126 = vector.multi_reduction <add>, %add3A_119, %reduce_sum3A_125 [1] : vector<256x256xf32> to vector<256xf32>
    %reduce_sum3A_127 = arith.constant dense<0.000000e+00> : vector<256xf32>
    %reduce_sum3A_128 = vector.multi_reduction <add>, %add3A_119, %reduce_sum3A_127 [0] : vector<256x256xf32> to vector<256xf32>
    %div3A_129 = vector.broadcast %reduce_sum3A_124 : f32 to vector<256x256xf32>
    %div3A_130 = arith.divf %add3A_119, %div3A_129 : vector<256x256xf32>
    %add3A_131 = arith.constant 1.000000e-10 : f32
    %add3A_132 = vector.broadcast %add3A_131 : f32 to vector<256x256xf32>
    %add3A_133 = arith.addf %div3A_130, %add3A_132 : vector<256x256xf32>
    %log3A_134 = math.log %add3A_133 : vector<256x256xf32>
    %log3A_135 = arith.constant 2.000000e+00 : f32
    %log3A_136 = math.log %log3A_135 : f32
    %div3A_137 = vector.broadcast %log3A_136 : f32 to vector<256x256xf32>
    %div3A_138 = arith.divf %log3A_134, %div3A_137 : vector<256x256xf32>
    %mul3A_139 = arith.mulf %div3A_130, %div3A_138 : vector<256x256xf32>
    %reduce_sum3A_140 = vector.shape_cast %mul3A_139 : vector<256x256xf32> to vector<1x256x256xf32>
    %reduce_sum3A_141 = arith.constant dense<0.000000e+00> : vector<1xf32>
    %reduce_sum3A_142 = vector.multi_reduction <add>, %reduce_sum3A_140, %reduce_sum3A_141 [1, 2] : vector<1x256x256xf32> to vector<1xf32>
    %reduce_sum3A_143 = vector.shape_cast %reduce_sum3A_142 : vector<1xf32> to vector<1x1x1xf32>
    %reduce_sum3A_144 = vector.extract %reduce_sum3A_143[0, 0, 0] : f32 from vector<1x1x1xf32>
    %neg3A_145 = arith.constant 0.000000e+00 : f32
    %neg3A_146 = arith.subf %neg3A_145, %reduce_sum3A_144 : f32
    %div3A_147 = vector.broadcast %reduce_sum3A_124 : f32 to vector<256xf32>
    %div3A_148 = arith.divf %reduce_sum3A_126, %div3A_147 : vector<256xf32>
    %div3A_149 = vector.broadcast %reduce_sum3A_124 : f32 to vector<256xf32>
    %div3A_150 = arith.divf %reduce_sum3A_128, %div3A_149 : vector<256xf32>
    %add3A_151 = arith.constant 1.000000e-10 : f32
    %add3A_152 = vector.broadcast %add3A_151 : f32 to vector<256xf32>
    %add3A_153 = arith.addf %div3A_148, %add3A_152 : vector<256xf32>
    %log3A_154 = math.log %add3A_153 : vector<256xf32>
    %log3A_155 = arith.constant 2.000000e+00 : f32
    %log3A_156 = math.log %log3A_155 : f32
    %div3A_157 = vector.broadcast %log3A_156 : f32 to vector<256xf32>
    %div3A_158 = arith.divf %log3A_154, %div3A_157 : vector<256xf32>
    %mul3A_159 = arith.mulf %div3A_148, %div3A_158 : vector<256xf32>
    %reduce_sum3A_160 = vector.shape_cast %mul3A_159 : vector<256xf32> to vector<1x256xf32>
    %reduce_sum3A_161 = arith.constant dense<0.000000e+00> : vector<1xf32>
    %reduce_sum3A_162 = vector.multi_reduction <add>, %reduce_sum3A_160, %reduce_sum3A_161 [1] : vector<1x256xf32> to vector<1xf32>
    %reduce_sum3A_163 = vector.shape_cast %reduce_sum3A_162 : vector<1xf32> to vector<1x1xf32>
    %reduce_sum3A_164 = vector.extract %reduce_sum3A_163[0, 0] : f32 from vector<1x1xf32>
    %neg3A_165 = arith.constant 0.000000e+00 : f32
    %neg3A_166 = arith.subf %neg3A_165, %reduce_sum3A_164 : f32
    %add3A_167 = arith.constant 1.000000e-10 : f32
    %add3A_168 = vector.broadcast %add3A_167 : f32 to vector<256xf32>
    %add3A_169 = arith.addf %div3A_150, %add3A_168 : vector<256xf32>
    %log3A_170 = math.log %add3A_169 : vector<256xf32>
    %log3A_171 = arith.constant 2.000000e+00 : f32
    %log3A_172 = math.log %log3A_171 : f32
    %div3A_173 = vector.broadcast %log3A_172 : f32 to vector<256xf32>
    %div3A_174 = arith.divf %log3A_170, %div3A_173 : vector<256xf32>
    %mul3A_175 = arith.mulf %div3A_150, %div3A_174 : vector<256xf32>
    %reduce_sum3A_176 = vector.shape_cast %mul3A_175 : vector<256xf32> to vector<1x256xf32>
    %reduce_sum3A_177 = arith.constant dense<0.000000e+00> : vector<1xf32>
    %reduce_sum3A_178 = vector.multi_reduction <add>, %reduce_sum3A_176, %reduce_sum3A_177 [1] : vector<1x256xf32> to vector<1xf32>
    %reduce_sum3A_179 = vector.shape_cast %reduce_sum3A_178 : vector<1xf32> to vector<1x1xf32>
    %reduce_sum3A_180 = vector.extract %reduce_sum3A_179[0, 0] : f32 from vector<1x1xf32>
    %sub3A_181 = arith.subf %neg3A_166, %reduce_sum3A_180 : f32
    %sub3A_182 = arith.subf %sub3A_181, %neg3A_146 : f32
    %div3A_183 = arith.divf %sub3A_182, %sub3A_181 : f32
    %add3A_184 = arith.addf %add3A_80, %div3A_183 : f32
    %add3A_185 = arith.addf %add3A_82, %sub3A_181 : f32
    %add3A_186 = arith.addf %add3A_84, %neg3A_146 : f32
    %get3A_187 = arith.constant 7 : index
    %get3A_188 = arith.constant 0 : index
    %get3A_189 = arith.constant 0 : index
    %get3A_190 = vector.load %arg0[%get3A_187, %get3A_188, %get3A_189] : memref<64x256x256xf32, #tpu.memory_space<vmem>>, vector<1x256x256xf32>
    %get3A_191 = vector.shape_cast %get3A_190 : vector<1x256x256xf32> to vector<256x256xf32>
    %get3A_192 = arith.constant 8 : index
    %get3A_193 = arith.constant 0 : index
    %get3A_194 = arith.constant 0 : index
    %get3A_195 = vector.load %arg0[%get3A_192, %get3A_193, %get3A_194] : memref<64x256x256xf32, #tpu.memory_space<vmem>>, vector<1x256x256xf32>
    %get3A_196 = vector.shape_cast %get3A_195 : vector<1x256x256xf32> to vector<256x256xf32>
    %add3A_197 = arith.addf %get3A_191, %get3A_196 : vector<256x256xf32>
    %get3A_198 = arith.constant 39 : index
    %get3A_199 = arith.constant 0 : index
    %get3A_200 = arith.constant 0 : index
    %get3A_201 = vector.load %arg0[%get3A_198, %get3A_199, %get3A_200] : memref<64x256x256xf32, #tpu.memory_space<vmem>>, vector<1x256x256xf32>
    %get3A_202 = vector.shape_cast %get3A_201 : vector<1x256x256xf32> to vector<256x256xf32>
    %add3A_203 = arith.addf %add3A_197, %get3A_202 : vector<256x256xf32>
    %get3A_204 = arith.constant 40 : index
    %get3A_205 = arith.constant 0 : index
    %get3A_206 = arith.constant 0 : index
    %get3A_207 = vector.load %arg0[%get3A_204, %get3A_205, %get3A_206] : memref<64x256x256xf32, #tpu.memory_space<vmem>>, vector<1x256x256xf32>
    %get3A_208 = vector.shape_cast %get3A_207 : vector<1x256x256xf32> to vector<256x256xf32>
    %add3A_209 = arith.addf %add3A_203, %get3A_208 : vector<256x256xf32>
    %reduce_sum3A_210 = vector.shape_cast %add3A_209 : vector<256x256xf32> to vector<1x256x256xf32>
    %reduce_sum3A_211 = arith.constant dense<0.000000e+00> : vector<1xf32>
    %reduce_sum3A_212 = vector.multi_reduction <add>, %reduce_sum3A_210, %reduce_sum3A_211 [1, 2] : vector<1x256x256xf32> to vector<1xf32>
    %reduce_sum3A_213 = vector.shape_cast %reduce_sum3A_212 : vector<1xf32> to vector<1x1x1xf32>
    %reduce_sum3A_214 = vector.extract %reduce_sum3A_213[0, 0, 0] : f32 from vector<1x1x1xf32>
    %reduce_sum3A_215 = arith.constant dense<0.000000e+00> : vector<256xf32>
    %reduce_sum3A_216 = vector.multi_reduction <add>, %add3A_209, %reduce_sum3A_215 [1] : vector<256x256xf32> to vector<256xf32>
    %reduce_sum3A_217 = arith.constant dense<0.000000e+00> : vector<256xf32>
    %reduce_sum3A_218 = vector.multi_reduction <add>, %add3A_209, %reduce_sum3A_217 [0] : vector<256x256xf32> to vector<256xf32>
    %div3A_219 = vector.broadcast %reduce_sum3A_214 : f32 to vector<256x256xf32>
    %div3A_220 = arith.divf %add3A_209, %div3A_219 : vector<256x256xf32>
    %add3A_221 = arith.constant 1.000000e-10 : f32
    %add3A_222 = vector.broadcast %add3A_221 : f32 to vector<256x256xf32>
    %add3A_223 = arith.addf %div3A_220, %add3A_222 : vector<256x256xf32>
    %log3A_224 = math.log %add3A_223 : vector<256x256xf32>
    %log3A_225 = arith.constant 2.000000e+00 : f32
    %log3A_226 = math.log %log3A_225 : f32
    %div3A_227 = vector.broadcast %log3A_226 : f32 to vector<256x256xf32>
    %div3A_228 = arith.divf %log3A_224, %div3A_227 : vector<256x256xf32>
    %mul3A_229 = arith.mulf %div3A_220, %div3A_228 : vector<256x256xf32>
    %reduce_sum3A_230 = vector.shape_cast %mul3A_229 : vector<256x256xf32> to vector<1x256x256xf32>
    %reduce_sum3A_231 = arith.constant dense<0.000000e+00> : vector<1xf32>
    %reduce_sum3A_232 = vector.multi_reduction <add>, %reduce_sum3A_230, %reduce_sum3A_231 [1, 2] : vector<1x256x256xf32> to vector<1xf32>
    %reduce_sum3A_233 = vector.shape_cast %reduce_sum3A_232 : vector<1xf32> to vector<1x1x1xf32>
    %reduce_sum3A_234 = vector.extract %reduce_sum3A_233[0, 0, 0] : f32 from vector<1x1x1xf32>
    %neg3A_235 = arith.constant 0.000000e+00 : f32
    %neg3A_236 = arith.subf %neg3A_235, %reduce_sum3A_234 : f32
    %div3A_237 = vector.broadcast %reduce_sum3A_214 : f32 to vector<256xf32>
    %div3A_238 = arith.divf %reduce_sum3A_216, %div3A_237 : vector<256xf32>
    %div3A_239 = vector.broadcast %reduce_sum3A_214 : f32 to vector<256xf32>
    %div3A_240 = arith.divf %reduce_sum3A_218, %div3A_239 : vector<256xf32>
    %add3A_241 = arith.constant 1.000000e-10 : f32
    %add3A_242 = vector.broadcast %add3A_241 : f32 to vector<256xf32>
    %add3A_243 = arith.addf %div3A_238, %add3A_242 : vector<256xf32>
    %log3A_244 = math.log %add3A_243 : vector<256xf32>
    %log3A_245 = arith.constant 2.000000e+00 : f32
    %log3A_246 = math.log %log3A_245 : f32
    %div3A_247 = vector.broadcast %log3A_246 : f32 to vector<256xf32>
    %div3A_248 = arith.divf %log3A_244, %div3A_247 : vector<256xf32>
    %mul3A_249 = arith.mulf %div3A_238, %div3A_248 : vector<256xf32>
    %reduce_sum3A_250 = vector.shape_cast %mul3A_249 : vector<256xf32> to vector<1x256xf32>
    %reduce_sum3A_251 = arith.constant dense<0.000000e+00> : vector<1xf32>
    %reduce_sum3A_252 = vector.multi_reduction <add>, %reduce_sum3A_250, %reduce_sum3A_251 [1] : vector<1x256xf32> to vector<1xf32>
    %reduce_sum3A_253 = vector.shape_cast %reduce_sum3A_252 : vector<1xf32> to vector<1x1xf32>
    %reduce_sum3A_254 = vector.extract %reduce_sum3A_253[0, 0] : f32 from vector<1x1xf32>
    %neg3A_255 = arith.constant 0.000000e+00 : f32
    %neg3A_256 = arith.subf %neg3A_255, %reduce_sum3A_254 : f32
    %add3A_257 = arith.constant 1.000000e-10 : f32
    %add3A_258 = vector.broadcast %add3A_257 : f32 to vector<256xf32>
    %add3A_259 = arith.addf %div3A_240, %add3A_258 : vector<256xf32>
    %log3A_260 = math.log %add3A_259 : vector<256xf32>
    %log3A_261 = arith.constant 2.000000e+00 : f32
    %log3A_262 = math.log %log3A_261 : f32
    %div3A_263 = vector.broadcast %log3A_262 : f32 to vector<256xf32>
    %div3A_264 = arith.divf %log3A_260, %div3A_263 : vector<256xf32>
    %mul3A_265 = arith.mulf %div3A_240, %div3A_264 : vector<256xf32>
    %reduce_sum3A_266 = vector.shape_cast %mul3A_265 : vector<256xf32> to vector<1x256xf32>
    %reduce_sum3A_267 = arith.constant dense<0.000000e+00> : vector<1xf32>
    %reduce_sum3A_268 = vector.multi_reduction <add>, %reduce_sum3A_266, %reduce_sum3A_267 [1] : vector<1x256xf32> to vector<1xf32>
    %reduce_sum3A_269 = vector.shape_cast %reduce_sum3A_268 : vector<1xf32> to vector<1x1xf32>
    %reduce_sum3A_270 = vector.extract %reduce_sum3A_269[0, 0] : f32 from vector<1x1xf32>
    %sub3A_271 = arith.subf %neg3A_256, %reduce_sum3A_270 : f32
    %sub3A_272 = arith.subf %sub3A_271, %neg3A_236 : f32
    %div3A_273 = arith.divf %sub3A_272, %sub3A_271 : f32
    %add3A_274 = arith.addf %add3A_184, %div3A_273 : f32
    %add3A_275 = arith.addf %add3A_185, %sub3A_271 : f32
    %add3A_276 = arith.addf %add3A_186, %neg3A_236 : f32
    %get3A_277 = arith.constant 9 : index
    %get3A_278 = arith.constant 0 : index
    %get3A_279 = arith.constant 0 : index
    %get3A_280 = vector.load %arg0[%get3A_277, %get3A_278, %get3A_279] : memref<64x256x256xf32, #tpu.memory_space<vmem>>, vector<1x256x256xf32>
    %get3A_281 = vector.shape_cast %get3A_280 : vector<1x256x256xf32> to vector<256x256xf32>
    %get3A_282 = arith.constant 10 : index
    %get3A_283 = arith.constant 0 : index
    %get3A_284 = arith.constant 0 : index
    %get3A_285 = vector.load %arg0[%get3A_282, %get3A_283, %get3A_284] : memref<64x256x256xf32, #tpu.memory_space<vmem>>, vector<1x256x256xf32>
    %get3A_286 = vector.shape_cast %get3A_285 : vector<1x256x256xf32> to vector<256x256xf32>
    %add3A_287 = arith.addf %get3A_281, %get3A_286 : vector<256x256xf32>
    %get3A_288 = arith.constant 12 : index
    %get3A_289 = arith.constant 0 : index
    %get3A_290 = arith.constant 0 : index
    %get3A_291 = vector.load %arg0[%get3A_288, %get3A_289, %get3A_290] : memref<64x256x256xf32, #tpu.memory_space<vmem>>, vector<1x256x256xf32>
    %get3A_292 = vector.shape_cast %get3A_291 : vector<1x256x256xf32> to vector<256x256xf32>
    %add3A_293 = arith.addf %add3A_287, %get3A_292 : vector<256x256xf32>
    %get3A_294 = arith.constant 41 : index
    %get3A_295 = arith.constant 0 : index
    %get3A_296 = arith.constant 0 : index
    %get3A_297 = vector.load %arg0[%get3A_294, %get3A_295, %get3A_296] : memref<64x256x256xf32, #tpu.memory_space<vmem>>, vector<1x256x256xf32>
    %get3A_298 = vector.shape_cast %get3A_297 : vector<1x256x256xf32> to vector<256x256xf32>
    %add3A_299 = arith.addf %add3A_293, %get3A_298 : vector<256x256xf32>
    %get3A_300 = arith.constant 42 : index
    %get3A_301 = arith.constant 0 : index
    %get3A_302 = arith.constant 0 : index
    %get3A_303 = vector.load %arg0[%get3A_300, %get3A_301, %get3A_302] : memref<64x256x256xf32, #tpu.memory_space<vmem>>, vector<1x256x256xf32>
    %get3A_304 = vector.shape_cast %get3A_303 : vector<1x256x256xf32> to vector<256x256xf32>
    %add3A_305 = arith.addf %add3A_299, %get3A_304 : vector<256x256xf32>
    %get3A_306 = arith.constant 44 : index
    %get3A_307 = arith.constant 0 : index
    %get3A_308 = arith.constant 0 : index
    %get3A_309 = vector.load %arg0[%get3A_306, %get3A_307, %get3A_308] : memref<64x256x256xf32, #tpu.memory_space<vmem>>, vector<1x256x256xf32>
    %get3A_310 = vector.shape_cast %get3A_309 : vector<1x256x256xf32> to vector<256x256xf32>
    %add3A_311 = arith.addf %add3A_305, %get3A_310 : vector<256x256xf32>
    %reduce_sum3A_312 = vector.shape_cast %add3A_311 : vector<256x256xf32> to vector<1x256x256xf32>
    %reduce_sum3A_313 = arith.constant dense<0.000000e+00> : vector<1xf32>
    %reduce_sum3A_314 = vector.multi_reduction <add>, %reduce_sum3A_312, %reduce_sum3A_313 [1, 2] : vector<1x256x256xf32> to vector<1xf32>
    %reduce_sum3A_315 = vector.shape_cast %reduce_sum3A_314 : vector<1xf32> to vector<1x1x1xf32>
    %reduce_sum3A_316 = vector.extract %reduce_sum3A_315[0, 0, 0] : f32 from vector<1x1x1xf32>
    %reduce_sum3A_317 = arith.constant dense<0.000000e+00> : vector<256xf32>
    %reduce_sum3A_318 = vector.multi_reduction <add>, %add3A_311, %reduce_sum3A_317 [1] : vector<256x256xf32> to vector<256xf32>
    %reduce_sum3A_319 = arith.constant dense<0.000000e+00> : vector<256xf32>
    %reduce_sum3A_320 = vector.multi_reduction <add>, %add3A_311, %reduce_sum3A_319 [0] : vector<256x256xf32> to vector<256xf32>
    %div3A_321 = vector.broadcast %reduce_sum3A_316 : f32 to vector<256x256xf32>
    %div3A_322 = arith.divf %add3A_311, %div3A_321 : vector<256x256xf32>
    %add3A_323 = arith.constant 1.000000e-10 : f32
    %add3A_324 = vector.broadcast %add3A_323 : f32 to vector<256x256xf32>
    %add3A_325 = arith.addf %div3A_322, %add3A_324 : vector<256x256xf32>
    %log3A_326 = math.log %add3A_325 : vector<256x256xf32>
    %log3A_327 = arith.constant 2.000000e+00 : f32
    %log3A_328 = math.log %log3A_327 : f32
    %div3A_329 = vector.broadcast %log3A_328 : f32 to vector<256x256xf32>
    %div3A_330 = arith.divf %log3A_326, %div3A_329 : vector<256x256xf32>
    %mul3A_331 = arith.mulf %div3A_322, %div3A_330 : vector<256x256xf32>
    %reduce_sum3A_332 = vector.shape_cast %mul3A_331 : vector<256x256xf32> to vector<1x256x256xf32>
    %reduce_sum3A_333 = arith.constant dense<0.000000e+00> : vector<1xf32>
    %reduce_sum3A_334 = vector.multi_reduction <add>, %reduce_sum3A_332, %reduce_sum3A_333 [1, 2] : vector<1x256x256xf32> to vector<1xf32>
    %reduce_sum3A_335 = vector.shape_cast %reduce_sum3A_334 : vector<1xf32> to vector<1x1x1xf32>
    %reduce_sum3A_336 = vector.extract %reduce_sum3A_335[0, 0, 0] : f32 from vector<1x1x1xf32>
    %neg3A_337 = arith.constant 0.000000e+00 : f32
    %neg3A_338 = arith.subf %neg3A_337, %reduce_sum3A_336 : f32
    %div3A_339 = vector.broadcast %reduce_sum3A_316 : f32 to vector<256xf32>
    %div3A_340 = arith.divf %reduce_sum3A_318, %div3A_339 : vector<256xf32>
    %div3A_341 = vector.broadcast %reduce_sum3A_316 : f32 to vector<256xf32>
    %div3A_342 = arith.divf %reduce_sum3A_320, %div3A_341 : vector<256xf32>
    %add3A_343 = arith.constant 1.000000e-10 : f32
    %add3A_344 = vector.broadcast %add3A_343 : f32 to vector<256xf32>
    %add3A_345 = arith.addf %div3A_340, %add3A_344 : vector<256xf32>
    %log3A_346 = math.log %add3A_345 : vector<256xf32>
    %log3A_347 = arith.constant 2.000000e+00 : f32
    %log3A_348 = math.log %log3A_347 : f32
    %div3A_349 = vector.broadcast %log3A_348 : f32 to vector<256xf32>
    %div3A_350 = arith.divf %log3A_346, %div3A_349 : vector<256xf32>
    %mul3A_351 = arith.mulf %div3A_340, %div3A_350 : vector<256xf32>
    %reduce_sum3A_352 = vector.shape_cast %mul3A_351 : vector<256xf32> to vector<1x256xf32>
    %reduce_sum3A_353 = arith.constant dense<0.000000e+00> : vector<1xf32>
    %reduce_sum3A_354 = vector.multi_reduction <add>, %reduce_sum3A_352, %reduce_sum3A_353 [1] : vector<1x256xf32> to vector<1xf32>
    %reduce_sum3A_355 = vector.shape_cast %reduce_sum3A_354 : vector<1xf32> to vector<1x1xf32>
    %reduce_sum3A_356 = vector.extract %reduce_sum3A_355[0, 0] : f32 from vector<1x1xf32>
    %neg3A_357 = arith.constant 0.000000e+00 : f32
    %neg3A_358 = arith.subf %neg3A_357, %reduce_sum3A_356 : f32
    %add3A_359 = arith.constant 1.000000e-10 : f32
    %add3A_360 = vector.broadcast %add3A_359 : f32 to vector<256xf32>
    %add3A_361 = arith.addf %div3A_342, %add3A_360 : vector<256xf32>
    %log3A_362 = math.log %add3A_361 : vector<256xf32>
    %log3A_363 = arith.constant 2.000000e+00 : f32
    %log3A_364 = math.log %log3A_363 : f32
    %div3A_365 = vector.broadcast %log3A_364 : f32 to vector<256xf32>
    %div3A_366 = arith.divf %log3A_362, %div3A_365 : vector<256xf32>
    %mul3A_367 = arith.mulf %div3A_342, %div3A_366 : vector<256xf32>
    %reduce_sum3A_368 = vector.shape_cast %mul3A_367 : vector<256xf32> to vector<1x256xf32>
    %reduce_sum3A_369 = arith.constant dense<0.000000e+00> : vector<1xf32>
    %reduce_sum3A_370 = vector.multi_reduction <add>, %reduce_sum3A_368, %reduce_sum3A_369 [1] : vector<1x256xf32> to vector<1xf32>
    %reduce_sum3A_371 = vector.shape_cast %reduce_sum3A_370 : vector<1xf32> to vector<1x1xf32>
    %reduce_sum3A_372 = vector.extract %reduce_sum3A_371[0, 0] : f32 from vector<1x1xf32>
    %sub3A_373 = arith.subf %neg3A_358, %reduce_sum3A_372 : f32
    %sub3A_374 = arith.subf %sub3A_373, %neg3A_338 : f32
    %div3A_375 = arith.divf %sub3A_374, %sub3A_373 : f32
    %add3A_376 = arith.addf %add3A_274, %div3A_375 : f32
    %add3A_377 = arith.addf %add3A_275, %sub3A_373 : f32
    %add3A_378 = arith.addf %add3A_276, %neg3A_338 : f32
    %get3A_379 = arith.constant 13 : index
    %get3A_380 = arith.constant 0 : index
    %get3A_381 = arith.constant 0 : index
    %get3A_382 = vector.load %arg0[%get3A_379, %get3A_380, %get3A_381] : memref<64x256x256xf32, #tpu.memory_space<vmem>>, vector<1x256x256xf32>
    %get3A_383 = vector.shape_cast %get3A_382 : vector<1x256x256xf32> to vector<256x256xf32>
    %get3A_384 = arith.constant 14 : index
    %get3A_385 = arith.constant 0 : index
    %get3A_386 = arith.constant 0 : index
    %get3A_387 = vector.load %arg0[%get3A_384, %get3A_385, %get3A_386] : memref<64x256x256xf32, #tpu.memory_space<vmem>>, vector<1x256x256xf32>
    %get3A_388 = vector.shape_cast %get3A_387 : vector<1x256x256xf32> to vector<256x256xf32>
    %add3A_389 = arith.addf %get3A_383, %get3A_388 : vector<256x256xf32>
    %get3A_390 = arith.constant 45 : index
    %get3A_391 = arith.constant 0 : index
    %get3A_392 = arith.constant 0 : index
    %get3A_393 = vector.load %arg0[%get3A_390, %get3A_391, %get3A_392] : memref<64x256x256xf32, #tpu.memory_space<vmem>>, vector<1x256x256xf32>
    %get3A_394 = vector.shape_cast %get3A_393 : vector<1x256x256xf32> to vector<256x256xf32>
    %add3A_395 = arith.addf %add3A_389, %get3A_394 : vector<256x256xf32>
    %get3A_396 = arith.constant 46 : index
    %get3A_397 = arith.constant 0 : index
    %get3A_398 = arith.constant 0 : index
    %get3A_399 = vector.load %arg0[%get3A_396, %get3A_397, %get3A_398] : memref<64x256x256xf32, #tpu.memory_space<vmem>>, vector<1x256x256xf32>
    %get3A_400 = vector.shape_cast %get3A_399 : vector<1x256x256xf32> to vector<256x256xf32>
    %add3A_401 = arith.addf %add3A_395, %get3A_400 : vector<256x256xf32>
    %reduce_sum3A_402 = vector.shape_cast %add3A_401 : vector<256x256xf32> to vector<1x256x256xf32>
    %reduce_sum3A_403 = arith.constant dense<0.000000e+00> : vector<1xf32>
    %reduce_sum3A_404 = vector.multi_reduction <add>, %reduce_sum3A_402, %reduce_sum3A_403 [1, 2] : vector<1x256x256xf32> to vector<1xf32>
    %reduce_sum3A_405 = vector.shape_cast %reduce_sum3A_404 : vector<1xf32> to vector<1x1x1xf32>
    %reduce_sum3A_406 = vector.extract %reduce_sum3A_405[0, 0, 0] : f32 from vector<1x1x1xf32>
    %reduce_sum3A_407 = arith.constant dense<0.000000e+00> : vector<256xf32>
    %reduce_sum3A_408 = vector.multi_reduction <add>, %add3A_401, %reduce_sum3A_407 [1] : vector<256x256xf32> to vector<256xf32>
    %reduce_sum3A_409 = arith.constant dense<0.000000e+00> : vector<256xf32>
    %reduce_sum3A_410 = vector.multi_reduction <add>, %add3A_401, %reduce_sum3A_409 [0] : vector<256x256xf32> to vector<256xf32>
    %div3A_411 = vector.broadcast %reduce_sum3A_406 : f32 to vector<256x256xf32>
    %div3A_412 = arith.divf %add3A_401, %div3A_411 : vector<256x256xf32>
    %add3A_413 = arith.constant 1.000000e-10 : f32
    %add3A_414 = vector.broadcast %add3A_413 : f32 to vector<256x256xf32>
    %add3A_415 = arith.addf %div3A_412, %add3A_414 : vector<256x256xf32>
    %log3A_416 = math.log %add3A_415 : vector<256x256xf32>
    %log3A_417 = arith.constant 2.000000e+00 : f32
    %log3A_418 = math.log %log3A_417 : f32
    %div3A_419 = vector.broadcast %log3A_418 : f32 to vector<256x256xf32>
    %div3A_420 = arith.divf %log3A_416, %div3A_419 : vector<256x256xf32>
    %mul3A_421 = arith.mulf %div3A_412, %div3A_420 : vector<256x256xf32>
    %reduce_sum3A_422 = vector.shape_cast %mul3A_421 : vector<256x256xf32> to vector<1x256x256xf32>
    %reduce_sum3A_423 = arith.constant dense<0.000000e+00> : vector<1xf32>
    %reduce_sum3A_424 = vector.multi_reduction <add>, %reduce_sum3A_422, %reduce_sum3A_423 [1, 2] : vector<1x256x256xf32> to vector<1xf32>
    %reduce_sum3A_425 = vector.shape_cast %reduce_sum3A_424 : vector<1xf32> to vector<1x1x1xf32>
    %reduce_sum3A_426 = vector.extract %reduce_sum3A_425[0, 0, 0] : f32 from vector<1x1x1xf32>
    %neg3A_427 = arith.constant 0.000000e+00 : f32
    %neg3A_428 = arith.subf %neg3A_427, %reduce_sum3A_426 : f32
    %div3A_429 = vector.broadcast %reduce_sum3A_406 : f32 to vector<256xf32>
    %div3A_430 = arith.divf %reduce_sum3A_408, %div3A_429 : vector<256xf32>
    %div3A_431 = vector.broadcast %reduce_sum3A_406 : f32 to vector<256xf32>
    %div3A_432 = arith.divf %reduce_sum3A_410, %div3A_431 : vector<256xf32>
    %add3A_433 = arith.constant 1.000000e-10 : f32
    %add3A_434 = vector.broadcast %add3A_433 : f32 to vector<256xf32>
    %add3A_435 = arith.addf %div3A_430, %add3A_434 : vector<256xf32>
    %log3A_436 = math.log %add3A_435 : vector<256xf32>
    %log3A_437 = arith.constant 2.000000e+00 : f32
    %log3A_438 = math.log %log3A_437 : f32
    %div3A_439 = vector.broadcast %log3A_438 : f32 to vector<256xf32>
    %div3A_440 = arith.divf %log3A_436, %div3A_439 : vector<256xf32>
    %mul3A_441 = arith.mulf %div3A_430, %div3A_440 : vector<256xf32>
    %reduce_sum3A_442 = vector.shape_cast %mul3A_441 : vector<256xf32> to vector<1x256xf32>
    %reduce_sum3A_443 = arith.constant dense<0.000000e+00> : vector<1xf32>
    %reduce_sum3A_444 = vector.multi_reduction <add>, %reduce_sum3A_442, %reduce_sum3A_443 [1] : vector<1x256xf32> to vector<1xf32>
    %reduce_sum3A_445 = vector.shape_cast %reduce_sum3A_444 : vector<1xf32> to vector<1x1xf32>
    %reduce_sum3A_446 = vector.extract %reduce_sum3A_445[0, 0] : f32 from vector<1x1xf32>
    %neg3A_447 = arith.constant 0.000000e+00 : f32
    %neg3A_448 = arith.subf %neg3A_447, %reduce_sum3A_446 : f32
    %add3A_449 = arith.constant 1.000000e-10 : f32
    %add3A_450 = vector.broadcast %add3A_449 : f32 to vector<256xf32>
    %add3A_451 = arith.addf %div3A_432, %add3A_450 : vector<256xf32>
    %log3A_452 = math.log %add3A_451 : vector<256xf32>
    %log3A_453 = arith.constant 2.000000e+00 : f32
    %log3A_454 = math.log %log3A_453 : f32
    %div3A_455 = vector.broadcast %log3A_454 : f32 to vector<256xf32>
    %div3A_456 = arith.divf %log3A_452, %div3A_455 : vector<256xf32>
    %mul3A_457 = arith.mulf %div3A_432, %div3A_456 : vector<256xf32>
    %reduce_sum3A_458 = vector.shape_cast %mul3A_457 : vector<256xf32> to vector<1x256xf32>
    %reduce_sum3A_459 = arith.constant dense<0.000000e+00> : vector<1xf32>
    %reduce_sum3A_460 = vector.multi_reduction <add>, %reduce_sum3A_458, %reduce_sum3A_459 [1] : vector<1x256xf32> to vector<1xf32>
    %reduce_sum3A_461 = vector.shape_cast %reduce_sum3A_460 : vector<1xf32> to vector<1x1xf32>
    %reduce_sum3A_462 = vector.extract %reduce_sum3A_461[0, 0] : f32 from vector<1x1xf32>
    %sub3A_463 = arith.subf %neg3A_448, %reduce_sum3A_462 : f32
    %sub3A_464 = arith.subf %sub3A_463, %neg3A_428 : f32
    %div3A_465 = arith.divf %sub3A_464, %sub3A_463 : f32
    %add3A_466 = arith.addf %add3A_376, %div3A_465 : f32
    %add3A_467 = arith.addf %add3A_377, %sub3A_463 : f32
    %add3A_468 = arith.addf %add3A_378, %neg3A_428 : f32
    %get3A_469 = arith.constant 16 : index
    %get3A_470 = arith.constant 0 : index
    %get3A_471 = arith.constant 0 : index
    %get3A_472 = vector.load %arg0[%get3A_469, %get3A_470, %get3A_471] : memref<64x256x256xf32, #tpu.memory_space<vmem>>, vector<1x256x256xf32>
    %get3A_473 = vector.shape_cast %get3A_472 : vector<1x256x256xf32> to vector<256x256xf32>
    %get3A_474 = arith.constant 18 : index
    %get3A_475 = arith.constant 0 : index
    %get3A_476 = arith.constant 0 : index
    %get3A_477 = vector.load %arg0[%get3A_474, %get3A_475, %get3A_476] : memref<64x256x256xf32, #tpu.memory_space<vmem>>, vector<1x256x256xf32>
    %get3A_478 = vector.shape_cast %get3A_477 : vector<1x256x256xf32> to vector<256x256xf32>
    %add3A_479 = arith.addf %get3A_473, %get3A_478 : vector<256x256xf32>
    %get3A_480 = arith.constant 48 : index
    %get3A_481 = arith.constant 0 : index
    %get3A_482 = arith.constant 0 : index
    %get3A_483 = vector.load %arg0[%get3A_480, %get3A_481, %get3A_482] : memref<64x256x256xf32, #tpu.memory_space<vmem>>, vector<1x256x256xf32>
    %get3A_484 = vector.shape_cast %get3A_483 : vector<1x256x256xf32> to vector<256x256xf32>
    %add3A_485 = arith.addf %add3A_479, %get3A_484 : vector<256x256xf32>
    %get3A_486 = arith.constant 50 : index
    %get3A_487 = arith.constant 0 : index
    %get3A_488 = arith.constant 0 : index
    %get3A_489 = vector.load %arg0[%get3A_486, %get3A_487, %get3A_488] : memref<64x256x256xf32, #tpu.memory_space<vmem>>, vector<1x256x256xf32>
    %get3A_490 = vector.shape_cast %get3A_489 : vector<1x256x256xf32> to vector<256x256xf32>
    %add3A_491 = arith.addf %add3A_485, %get3A_490 : vector<256x256xf32>
    %reduce_sum3A_492 = vector.shape_cast %add3A_491 : vector<256x256xf32> to vector<1x256x256xf32>
    %reduce_sum3A_493 = arith.constant dense<0.000000e+00> : vector<1xf32>
    %reduce_sum3A_494 = vector.multi_reduction <add>, %reduce_sum3A_492, %reduce_sum3A_493 [1, 2] : vector<1x256x256xf32> to vector<1xf32>
    %reduce_sum3A_495 = vector.shape_cast %reduce_sum3A_494 : vector<1xf32> to vector<1x1x1xf32>
    %reduce_sum3A_496 = vector.extract %reduce_sum3A_495[0, 0, 0] : f32 from vector<1x1x1xf32>
    %reduce_sum3A_497 = arith.constant dense<0.000000e+00> : vector<256xf32>
    %reduce_sum3A_498 = vector.multi_reduction <add>, %add3A_491, %reduce_sum3A_497 [1] : vector<256x256xf32> to vector<256xf32>
    %reduce_sum3A_499 = arith.constant dense<0.000000e+00> : vector<256xf32>
    %reduce_sum3A_500 = vector.multi_reduction <add>, %add3A_491, %reduce_sum3A_499 [0] : vector<256x256xf32> to vector<256xf32>
    %div3A_501 = vector.broadcast %reduce_sum3A_496 : f32 to vector<256x256xf32>
    %div3A_502 = arith.divf %add3A_491, %div3A_501 : vector<256x256xf32>
    %add3A_503 = arith.constant 1.000000e-10 : f32
    %add3A_504 = vector.broadcast %add3A_503 : f32 to vector<256x256xf32>
    %add3A_505 = arith.addf %div3A_502, %add3A_504 : vector<256x256xf32>
    %log3A_506 = math.log %add3A_505 : vector<256x256xf32>
    %log3A_507 = arith.constant 2.000000e+00 : f32
    %log3A_508 = math.log %log3A_507 : f32
    %div3A_509 = vector.broadcast %log3A_508 : f32 to vector<256x256xf32>
    %div3A_510 = arith.divf %log3A_506, %div3A_509 : vector<256x256xf32>
    %mul3A_511 = arith.mulf %div3A_502, %div3A_510 : vector<256x256xf32>
    %reduce_sum3A_512 = vector.shape_cast %mul3A_511 : vector<256x256xf32> to vector<1x256x256xf32>
    %reduce_sum3A_513 = arith.constant dense<0.000000e+00> : vector<1xf32>
    %reduce_sum3A_514 = vector.multi_reduction <add>, %reduce_sum3A_512, %reduce_sum3A_513 [1, 2] : vector<1x256x256xf32> to vector<1xf32>
    %reduce_sum3A_515 = vector.shape_cast %reduce_sum3A_514 : vector<1xf32> to vector<1x1x1xf32>
    %reduce_sum3A_516 = vector.extract %reduce_sum3A_515[0, 0, 0] : f32 from vector<1x1x1xf32>
    %neg3A_517 = arith.constant 0.000000e+00 : f32
    %neg3A_518 = arith.subf %neg3A_517, %reduce_sum3A_516 : f32
    %div3A_519 = vector.broadcast %reduce_sum3A_496 : f32 to vector<256xf32>
    %div3A_520 = arith.divf %reduce_sum3A_498, %div3A_519 : vector<256xf32>
    %div3A_521 = vector.broadcast %reduce_sum3A_496 : f32 to vector<256xf32>
    %div3A_522 = arith.divf %reduce_sum3A_500, %div3A_521 : vector<256xf32>
    %add3A_523 = arith.constant 1.000000e-10 : f32
    %add3A_524 = vector.broadcast %add3A_523 : f32 to vector<256xf32>
    %add3A_525 = arith.addf %div3A_520, %add3A_524 : vector<256xf32>
    %log3A_526 = math.log %add3A_525 : vector<256xf32>
    %log3A_527 = arith.constant 2.000000e+00 : f32
    %log3A_528 = math.log %log3A_527 : f32
    %div3A_529 = vector.broadcast %log3A_528 : f32 to vector<256xf32>
    %div3A_530 = arith.divf %log3A_526, %div3A_529 : vector<256xf32>
    %mul3A_531 = arith.mulf %div3A_520, %div3A_530 : vector<256xf32>
    %reduce_sum3A_532 = vector.shape_cast %mul3A_531 : vector<256xf32> to vector<1x256xf32>
    %reduce_sum3A_533 = arith.constant dense<0.000000e+00> : vector<1xf32>
    %reduce_sum3A_534 = vector.multi_reduction <add>, %reduce_sum3A_532, %reduce_sum3A_533 [1] : vector<1x256xf32> to vector<1xf32>
    %reduce_sum3A_535 = vector.shape_cast %reduce_sum3A_534 : vector<1xf32> to vector<1x1xf32>
    %reduce_sum3A_536 = vector.extract %reduce_sum3A_535[0, 0] : f32 from vector<1x1xf32>
    %neg3A_537 = arith.constant 0.000000e+00 : f32
    %neg3A_538 = arith.subf %neg3A_537, %reduce_sum3A_536 : f32
    %add3A_539 = arith.constant 1.000000e-10 : f32
    %add3A_540 = vector.broadcast %add3A_539 : f32 to vector<256xf32>
    %add3A_541 = arith.addf %div3A_522, %add3A_540 : vector<256xf32>
    %log3A_542 = math.log %add3A_541 : vector<256xf32>
    %log3A_543 = arith.constant 2.000000e+00 : f32
    %log3A_544 = math.log %log3A_543 : f32
    %div3A_545 = vector.broadcast %log3A_544 : f32 to vector<256xf32>
    %div3A_546 = arith.divf %log3A_542, %div3A_545 : vector<256xf32>
    %mul3A_547 = arith.mulf %div3A_522, %div3A_546 : vector<256xf32>
    %reduce_sum3A_548 = vector.shape_cast %mul3A_547 : vector<256xf32> to vector<1x256xf32>
    %reduce_sum3A_549 = arith.constant dense<0.000000e+00> : vector<1xf32>
    %reduce_sum3A_550 = vector.multi_reduction <add>, %reduce_sum3A_548, %reduce_sum3A_549 [1] : vector<1x256xf32> to vector<1xf32>
    %reduce_sum3A_551 = vector.shape_cast %reduce_sum3A_550 : vector<1xf32> to vector<1x1xf32>
    %reduce_sum3A_552 = vector.extract %reduce_sum3A_551[0, 0] : f32 from vector<1x1xf32>
    %sub3A_553 = arith.subf %neg3A_538, %reduce_sum3A_552 : f32
    %sub3A_554 = arith.subf %sub3A_553, %neg3A_518 : f32
    %div3A_555 = arith.divf %sub3A_554, %sub3A_553 : f32
    %add3A_556 = arith.addf %add3A_466, %div3A_555 : f32
    %add3A_557 = arith.addf %add3A_467, %sub3A_553 : f32
    %add3A_558 = arith.addf %add3A_468, %neg3A_518 : f32
    %get3A_559 = arith.constant 19 : index
    %get3A_560 = arith.constant 0 : index
    %get3A_561 = arith.constant 0 : index
    %get3A_562 = vector.load %arg0[%get3A_559, %get3A_560, %get3A_561] : memref<64x256x256xf32, #tpu.memory_space<vmem>>, vector<1x256x256xf32>
    %get3A_563 = vector.shape_cast %get3A_562 : vector<1x256x256xf32> to vector<256x256xf32>
    %get3A_564 = arith.constant 20 : index
    %get3A_565 = arith.constant 0 : index
    %get3A_566 = arith.constant 0 : index
    %get3A_567 = vector.load %arg0[%get3A_564, %get3A_565, %get3A_566] : memref<64x256x256xf32, #tpu.memory_space<vmem>>, vector<1x256x256xf32>
    %get3A_568 = vector.shape_cast %get3A_567 : vector<1x256x256xf32> to vector<256x256xf32>
    %add3A_569 = arith.addf %get3A_563, %get3A_568 : vector<256x256xf32>
    %get3A_570 = arith.constant 22 : index
    %get3A_571 = arith.constant 0 : index
    %get3A_572 = arith.constant 0 : index
    %get3A_573 = vector.load %arg0[%get3A_570, %get3A_571, %get3A_572] : memref<64x256x256xf32, #tpu.memory_space<vmem>>, vector<1x256x256xf32>
    %get3A_574 = vector.shape_cast %get3A_573 : vector<1x256x256xf32> to vector<256x256xf32>
    %add3A_575 = arith.addf %add3A_569, %get3A_574 : vector<256x256xf32>
    %get3A_576 = arith.constant 51 : index
    %get3A_577 = arith.constant 0 : index
    %get3A_578 = arith.constant 0 : index
    %get3A_579 = vector.load %arg0[%get3A_576, %get3A_577, %get3A_578] : memref<64x256x256xf32, #tpu.memory_space<vmem>>, vector<1x256x256xf32>
    %get3A_580 = vector.shape_cast %get3A_579 : vector<1x256x256xf32> to vector<256x256xf32>
    %add3A_581 = arith.addf %add3A_575, %get3A_580 : vector<256x256xf32>
    %get3A_582 = arith.constant 52 : index
    %get3A_583 = arith.constant 0 : index
    %get3A_584 = arith.constant 0 : index
    %get3A_585 = vector.load %arg0[%get3A_582, %get3A_583, %get3A_584] : memref<64x256x256xf32, #tpu.memory_space<vmem>>, vector<1x256x256xf32>
    %get3A_586 = vector.shape_cast %get3A_585 : vector<1x256x256xf32> to vector<256x256xf32>
    %add3A_587 = arith.addf %add3A_581, %get3A_586 : vector<256x256xf32>
    %get3A_588 = arith.constant 54 : index
    %get3A_589 = arith.constant 0 : index
    %get3A_590 = arith.constant 0 : index
    %get3A_591 = vector.load %arg0[%get3A_588, %get3A_589, %get3A_590] : memref<64x256x256xf32, #tpu.memory_space<vmem>>, vector<1x256x256xf32>
    %get3A_592 = vector.shape_cast %get3A_591 : vector<1x256x256xf32> to vector<256x256xf32>
    %add3A_593 = arith.addf %add3A_587, %get3A_592 : vector<256x256xf32>
    %reduce_sum3A_594 = vector.shape_cast %add3A_593 : vector<256x256xf32> to vector<1x256x256xf32>
    %reduce_sum3A_595 = arith.constant dense<0.000000e+00> : vector<1xf32>
    %reduce_sum3A_596 = vector.multi_reduction <add>, %reduce_sum3A_594, %reduce_sum3A_595 [1, 2] : vector<1x256x256xf32> to vector<1xf32>
    %reduce_sum3A_597 = vector.shape_cast %reduce_sum3A_596 : vector<1xf32> to vector<1x1x1xf32>
    %reduce_sum3A_598 = vector.extract %reduce_sum3A_597[0, 0, 0] : f32 from vector<1x1x1xf32>
    %reduce_sum3A_599 = arith.constant dense<0.000000e+00> : vector<256xf32>
    %reduce_sum3A_600 = vector.multi_reduction <add>, %add3A_593, %reduce_sum3A_599 [1] : vector<256x256xf32> to vector<256xf32>
    %reduce_sum3A_601 = arith.constant dense<0.000000e+00> : vector<256xf32>
    %reduce_sum3A_602 = vector.multi_reduction <add>, %add3A_593, %reduce_sum3A_601 [0] : vector<256x256xf32> to vector<256xf32>
    %div3A_603 = vector.broadcast %reduce_sum3A_598 : f32 to vector<256x256xf32>
    %div3A_604 = arith.divf %add3A_593, %div3A_603 : vector<256x256xf32>
    %add3A_605 = arith.constant 1.000000e-10 : f32
    %add3A_606 = vector.broadcast %add3A_605 : f32 to vector<256x256xf32>
    %add3A_607 = arith.addf %div3A_604, %add3A_606 : vector<256x256xf32>
    %log3A_608 = math.log %add3A_607 : vector<256x256xf32>
    %log3A_609 = arith.constant 2.000000e+00 : f32
    %log3A_610 = math.log %log3A_609 : f32
    %div3A_611 = vector.broadcast %log3A_610 : f32 to vector<256x256xf32>
    %div3A_612 = arith.divf %log3A_608, %div3A_611 : vector<256x256xf32>
    %mul3A_613 = arith.mulf %div3A_604, %div3A_612 : vector<256x256xf32>
    %reduce_sum3A_614 = vector.shape_cast %mul3A_613 : vector<256x256xf32> to vector<1x256x256xf32>
    %reduce_sum3A_615 = arith.constant dense<0.000000e+00> : vector<1xf32>
    %reduce_sum3A_616 = vector.multi_reduction <add>, %reduce_sum3A_614, %reduce_sum3A_615 [1, 2] : vector<1x256x256xf32> to vector<1xf32>
    %reduce_sum3A_617 = vector.shape_cast %reduce_sum3A_616 : vector<1xf32> to vector<1x1x1xf32>
    %reduce_sum3A_618 = vector.extract %reduce_sum3A_617[0, 0, 0] : f32 from vector<1x1x1xf32>
    %neg3A_619 = arith.constant 0.000000e+00 : f32
    %neg3A_620 = arith.subf %neg3A_619, %reduce_sum3A_618 : f32
    %div3A_621 = vector.broadcast %reduce_sum3A_598 : f32 to vector<256xf32>
    %div3A_622 = arith.divf %reduce_sum3A_600, %div3A_621 : vector<256xf32>
    %div3A_623 = vector.broadcast %reduce_sum3A_598 : f32 to vector<256xf32>
    %div3A_624 = arith.divf %reduce_sum3A_602, %div3A_623 : vector<256xf32>
    %add3A_625 = arith.constant 1.000000e-10 : f32
    %add3A_626 = vector.broadcast %add3A_625 : f32 to vector<256xf32>
    %add3A_627 = arith.addf %div3A_622, %add3A_626 : vector<256xf32>
    %log3A_628 = math.log %add3A_627 : vector<256xf32>
    %log3A_629 = arith.constant 2.000000e+00 : f32
    %log3A_630 = math.log %log3A_629 : f32
    %div3A_631 = vector.broadcast %log3A_630 : f32 to vector<256xf32>
    %div3A_632 = arith.divf %log3A_628, %div3A_631 : vector<256xf32>
    %mul3A_633 = arith.mulf %div3A_622, %div3A_632 : vector<256xf32>
    %reduce_sum3A_634 = vector.shape_cast %mul3A_633 : vector<256xf32> to vector<1x256xf32>
    %reduce_sum3A_635 = arith.constant dense<0.000000e+00> : vector<1xf32>
    %reduce_sum3A_636 = vector.multi_reduction <add>, %reduce_sum3A_634, %reduce_sum3A_635 [1] : vector<1x256xf32> to vector<1xf32>
    %reduce_sum3A_637 = vector.shape_cast %reduce_sum3A_636 : vector<1xf32> to vector<1x1xf32>
    %reduce_sum3A_638 = vector.extract %reduce_sum3A_637[0, 0] : f32 from vector<1x1xf32>
    %neg3A_639 = arith.constant 0.000000e+00 : f32
    %neg3A_640 = arith.subf %neg3A_639, %reduce_sum3A_638 : f32
    %add3A_641 = arith.constant 1.000000e-10 : f32
    %add3A_642 = vector.broadcast %add3A_641 : f32 to vector<256xf32>
    %add3A_643 = arith.addf %div3A_624, %add3A_642 : vector<256xf32>
    %log3A_644 = math.log %add3A_643 : vector<256xf32>
    %log3A_645 = arith.constant 2.000000e+00 : f32
    %log3A_646 = math.log %log3A_645 : f32
    %div3A_647 = vector.broadcast %log3A_646 : f32 to vector<256xf32>
    %div3A_648 = arith.divf %log3A_644, %div3A_647 : vector<256xf32>
    %mul3A_649 = arith.mulf %div3A_624, %div3A_648 : vector<256xf32>
    %reduce_sum3A_650 = vector.shape_cast %mul3A_649 : vector<256xf32> to vector<1x256xf32>
    %reduce_sum3A_651 = arith.constant dense<0.000000e+00> : vector<1xf32>
    %reduce_sum3A_652 = vector.multi_reduction <add>, %reduce_sum3A_650, %reduce_sum3A_651 [1] : vector<1x256xf32> to vector<1xf32>
    %reduce_sum3A_653 = vector.shape_cast %reduce_sum3A_652 : vector<1xf32> to vector<1x1xf32>
    %reduce_sum3A_654 = vector.extract %reduce_sum3A_653[0, 0] : f32 from vector<1x1xf32>
    %sub3A_655 = arith.subf %neg3A_640, %reduce_sum3A_654 : f32
    %sub3A_656 = arith.subf %sub3A_655, %neg3A_620 : f32
    %div3A_657 = arith.divf %sub3A_656, %sub3A_655 : f32
    %add3A_658 = arith.addf %add3A_556, %div3A_657 : f32
    %add3A_659 = arith.addf %add3A_557, %sub3A_655 : f32
    %add3A_660 = arith.addf %add3A_558, %neg3A_620 : f32
    %get3A_661 = arith.constant 23 : index
    %get3A_662 = arith.constant 0 : index
    %get3A_663 = arith.constant 0 : index
    %get3A_664 = vector.load %arg0[%get3A_661, %get3A_662, %get3A_663] : memref<64x256x256xf32, #tpu.memory_space<vmem>>, vector<1x256x256xf32>
    %get3A_665 = vector.shape_cast %get3A_664 : vector<1x256x256xf32> to vector<256x256xf32>
    %get3A_666 = arith.constant 24 : index
    %get3A_667 = arith.constant 0 : index
    %get3A_668 = arith.constant 0 : index
    %get3A_669 = vector.load %arg0[%get3A_666, %get3A_667, %get3A_668] : memref<64x256x256xf32, #tpu.memory_space<vmem>>, vector<1x256x256xf32>
    %get3A_670 = vector.shape_cast %get3A_669 : vector<1x256x256xf32> to vector<256x256xf32>
    %add3A_671 = arith.addf %get3A_665, %get3A_670 : vector<256x256xf32>
    %get3A_672 = arith.constant 55 : index
    %get3A_673 = arith.constant 0 : index
    %get3A_674 = arith.constant 0 : index
    %get3A_675 = vector.load %arg0[%get3A_672, %get3A_673, %get3A_674] : memref<64x256x256xf32, #tpu.memory_space<vmem>>, vector<1x256x256xf32>
    %get3A_676 = vector.shape_cast %get3A_675 : vector<1x256x256xf32> to vector<256x256xf32>
    %add3A_677 = arith.addf %add3A_671, %get3A_676 : vector<256x256xf32>
    %get3A_678 = arith.constant 56 : index
    %get3A_679 = arith.constant 0 : index
    %get3A_680 = arith.constant 0 : index
    %get3A_681 = vector.load %arg0[%get3A_678, %get3A_679, %get3A_680] : memref<64x256x256xf32, #tpu.memory_space<vmem>>, vector<1x256x256xf32>
    %get3A_682 = vector.shape_cast %get3A_681 : vector<1x256x256xf32> to vector<256x256xf32>
    %add3A_683 = arith.addf %add3A_677, %get3A_682 : vector<256x256xf32>
    %reduce_sum3A_684 = vector.shape_cast %add3A_683 : vector<256x256xf32> to vector<1x256x256xf32>
    %reduce_sum3A_685 = arith.constant dense<0.000000e+00> : vector<1xf32>
    %reduce_sum3A_686 = vector.multi_reduction <add>, %reduce_sum3A_684, %reduce_sum3A_685 [1, 2] : vector<1x256x256xf32> to vector<1xf32>
    %reduce_sum3A_687 = vector.shape_cast %reduce_sum3A_686 : vector<1xf32> to vector<1x1x1xf32>
    %reduce_sum3A_688 = vector.extract %reduce_sum3A_687[0, 0, 0] : f32 from vector<1x1x1xf32>
    %reduce_sum3A_689 = arith.constant dense<0.000000e+00> : vector<256xf32>
    %reduce_sum3A_690 = vector.multi_reduction <add>, %add3A_683, %reduce_sum3A_689 [1] : vector<256x256xf32> to vector<256xf32>
    %reduce_sum3A_691 = arith.constant dense<0.000000e+00> : vector<256xf32>
    %reduce_sum3A_692 = vector.multi_reduction <add>, %add3A_683, %reduce_sum3A_691 [0] : vector<256x256xf32> to vector<256xf32>
    %div3A_693 = vector.broadcast %reduce_sum3A_688 : f32 to vector<256x256xf32>
    %div3A_694 = arith.divf %add3A_683, %div3A_693 : vector<256x256xf32>
    %add3A_695 = arith.constant 1.000000e-10 : f32
    %add3A_696 = vector.broadcast %add3A_695 : f32 to vector<256x256xf32>
    %add3A_697 = arith.addf %div3A_694, %add3A_696 : vector<256x256xf32>
    %log3A_698 = math.log %add3A_697 : vector<256x256xf32>
    %log3A_699 = arith.constant 2.000000e+00 : f32
    %log3A_700 = math.log %log3A_699 : f32
    %div3A_701 = vector.broadcast %log3A_700 : f32 to vector<256x256xf32>
    %div3A_702 = arith.divf %log3A_698, %div3A_701 : vector<256x256xf32>
    %mul3A_703 = arith.mulf %div3A_694, %div3A_702 : vector<256x256xf32>
    %reduce_sum3A_704 = vector.shape_cast %mul3A_703 : vector<256x256xf32> to vector<1x256x256xf32>
    %reduce_sum3A_705 = arith.constant dense<0.000000e+00> : vector<1xf32>
    %reduce_sum3A_706 = vector.multi_reduction <add>, %reduce_sum3A_704, %reduce_sum3A_705 [1, 2] : vector<1x256x256xf32> to vector<1xf32>
    %reduce_sum3A_707 = vector.shape_cast %reduce_sum3A_706 : vector<1xf32> to vector<1x1x1xf32>
    %reduce_sum3A_708 = vector.extract %reduce_sum3A_707[0, 0, 0] : f32 from vector<1x1x1xf32>
    %neg3A_709 = arith.constant 0.000000e+00 : f32
    %neg3A_710 = arith.subf %neg3A_709, %reduce_sum3A_708 : f32
    %div3A_711 = vector.broadcast %reduce_sum3A_688 : f32 to vector<256xf32>
    %div3A_712 = arith.divf %reduce_sum3A_690, %div3A_711 : vector<256xf32>
    %div3A_713 = vector.broadcast %reduce_sum3A_688 : f32 to vector<256xf32>
    %div3A_714 = arith.divf %reduce_sum3A_692, %div3A_713 : vector<256xf32>
    %add3A_715 = arith.constant 1.000000e-10 : f32
    %add3A_716 = vector.broadcast %add3A_715 : f32 to vector<256xf32>
    %add3A_717 = arith.addf %div3A_712, %add3A_716 : vector<256xf32>
    %log3A_718 = math.log %add3A_717 : vector<256xf32>
    %log3A_719 = arith.constant 2.000000e+00 : f32
    %log3A_720 = math.log %log3A_719 : f32
    %div3A_721 = vector.broadcast %log3A_720 : f32 to vector<256xf32>
    %div3A_722 = arith.divf %log3A_718, %div3A_721 : vector<256xf32>
    %mul3A_723 = arith.mulf %div3A_712, %div3A_722 : vector<256xf32>
    %reduce_sum3A_724 = vector.shape_cast %mul3A_723 : vector<256xf32> to vector<1x256xf32>
    %reduce_sum3A_725 = arith.constant dense<0.000000e+00> : vector<1xf32>
    %reduce_sum3A_726 = vector.multi_reduction <add>, %reduce_sum3A_724, %reduce_sum3A_725 [1] : vector<1x256xf32> to vector<1xf32>
    %reduce_sum3A_727 = vector.shape_cast %reduce_sum3A_726 : vector<1xf32> to vector<1x1xf32>
    %reduce_sum3A_728 = vector.extract %reduce_sum3A_727[0, 0] : f32 from vector<1x1xf32>
    %neg3A_729 = arith.constant 0.000000e+00 : f32
    %neg3A_730 = arith.subf %neg3A_729, %reduce_sum3A_728 : f32
    %add3A_731 = arith.constant 1.000000e-10 : f32
    %add3A_732 = vector.broadcast %add3A_731 : f32 to vector<256xf32>
    %add3A_733 = arith.addf %div3A_714, %add3A_732 : vector<256xf32>
    %log3A_734 = math.log %add3A_733 : vector<256xf32>
    %log3A_735 = arith.constant 2.000000e+00 : f32
    %log3A_736 = math.log %log3A_735 : f32
    %div3A_737 = vector.broadcast %log3A_736 : f32 to vector<256xf32>
    %div3A_738 = arith.divf %log3A_734, %div3A_737 : vector<256xf32>
    %mul3A_739 = arith.mulf %div3A_714, %div3A_738 : vector<256xf32>
    %reduce_sum3A_740 = vector.shape_cast %mul3A_739 : vector<256xf32> to vector<1x256xf32>
    %reduce_sum3A_741 = arith.constant dense<0.000000e+00> : vector<1xf32>
    %reduce_sum3A_742 = vector.multi_reduction <add>, %reduce_sum3A_740, %reduce_sum3A_741 [1] : vector<1x256xf32> to vector<1xf32>
    %reduce_sum3A_743 = vector.shape_cast %reduce_sum3A_742 : vector<1xf32> to vector<1x1xf32>
    %reduce_sum3A_744 = vector.extract %reduce_sum3A_743[0, 0] : f32 from vector<1x1xf32>
    %sub3A_745 = arith.subf %neg3A_730, %reduce_sum3A_744 : f32
    %sub3A_746 = arith.subf %sub3A_745, %neg3A_710 : f32
    %div3A_747 = arith.divf %sub3A_746, %sub3A_745 : f32
    %add3A_748 = arith.addf %add3A_658, %div3A_747 : f32
    %add3A_749 = arith.addf %add3A_659, %sub3A_745 : f32
    %add3A_750 = arith.addf %add3A_660, %neg3A_710 : f32
    %get3A_751 = arith.constant 25 : index
    %get3A_752 = arith.constant 0 : index
    %get3A_753 = arith.constant 0 : index
    %get3A_754 = vector.load %arg0[%get3A_751, %get3A_752, %get3A_753] : memref<64x256x256xf32, #tpu.memory_space<vmem>>, vector<1x256x256xf32>
    %get3A_755 = vector.shape_cast %get3A_754 : vector<1x256x256xf32> to vector<256x256xf32>
    %get3A_756 = arith.constant 26 : index
    %get3A_757 = arith.constant 0 : index
    %get3A_758 = arith.constant 0 : index
    %get3A_759 = vector.load %arg0[%get3A_756, %get3A_757, %get3A_758] : memref<64x256x256xf32, #tpu.memory_space<vmem>>, vector<1x256x256xf32>
    %get3A_760 = vector.shape_cast %get3A_759 : vector<1x256x256xf32> to vector<256x256xf32>
    %add3A_761 = arith.addf %get3A_755, %get3A_760 : vector<256x256xf32>
    %get3A_762 = arith.constant 28 : index
    %get3A_763 = arith.constant 0 : index
    %get3A_764 = arith.constant 0 : index
    %get3A_765 = vector.load %arg0[%get3A_762, %get3A_763, %get3A_764] : memref<64x256x256xf32, #tpu.memory_space<vmem>>, vector<1x256x256xf32>
    %get3A_766 = vector.shape_cast %get3A_765 : vector<1x256x256xf32> to vector<256x256xf32>
    %add3A_767 = arith.addf %add3A_761, %get3A_766 : vector<256x256xf32>
    %get3A_768 = arith.constant 57 : index
    %get3A_769 = arith.constant 0 : index
    %get3A_770 = arith.constant 0 : index
    %get3A_771 = vector.load %arg0[%get3A_768, %get3A_769, %get3A_770] : memref<64x256x256xf32, #tpu.memory_space<vmem>>, vector<1x256x256xf32>
    %get3A_772 = vector.shape_cast %get3A_771 : vector<1x256x256xf32> to vector<256x256xf32>
    %add3A_773 = arith.addf %add3A_767, %get3A_772 : vector<256x256xf32>
    %get3A_774 = arith.constant 58 : index
    %get3A_775 = arith.constant 0 : index
    %get3A_776 = arith.constant 0 : index
    %get3A_777 = vector.load %arg0[%get3A_774, %get3A_775, %get3A_776] : memref<64x256x256xf32, #tpu.memory_space<vmem>>, vector<1x256x256xf32>
    %get3A_778 = vector.shape_cast %get3A_777 : vector<1x256x256xf32> to vector<256x256xf32>
    %add3A_779 = arith.addf %add3A_773, %get3A_778 : vector<256x256xf32>
    %get3A_780 = arith.constant 60 : index
    %get3A_781 = arith.constant 0 : index
    %get3A_782 = arith.constant 0 : index
    %get3A_783 = vector.load %arg0[%get3A_780, %get3A_781, %get3A_782] : memref<64x256x256xf32, #tpu.memory_space<vmem>>, vector<1x256x256xf32>
    %get3A_784 = vector.shape_cast %get3A_783 : vector<1x256x256xf32> to vector<256x256xf32>
    %add3A_785 = arith.addf %add3A_779, %get3A_784 : vector<256x256xf32>
    %reduce_sum3A_786 = vector.shape_cast %add3A_785 : vector<256x256xf32> to vector<1x256x256xf32>
    %reduce_sum3A_787 = arith.constant dense<0.000000e+00> : vector<1xf32>
    %reduce_sum3A_788 = vector.multi_reduction <add>, %reduce_sum3A_786, %reduce_sum3A_787 [1, 2] : vector<1x256x256xf32> to vector<1xf32>
    %reduce_sum3A_789 = vector.shape_cast %reduce_sum3A_788 : vector<1xf32> to vector<1x1x1xf32>
    %reduce_sum3A_790 = vector.extract %reduce_sum3A_789[0, 0, 0] : f32 from vector<1x1x1xf32>
    %reduce_sum3A_791 = arith.constant dense<0.000000e+00> : vector<256xf32>
    %reduce_sum3A_792 = vector.multi_reduction <add>, %add3A_785, %reduce_sum3A_791 [1] : vector<256x256xf32> to vector<256xf32>
    %reduce_sum3A_793 = arith.constant dense<0.000000e+00> : vector<256xf32>
    %reduce_sum3A_794 = vector.multi_reduction <add>, %add3A_785, %reduce_sum3A_793 [0] : vector<256x256xf32> to vector<256xf32>
    %div3A_795 = vector.broadcast %reduce_sum3A_790 : f32 to vector<256x256xf32>
    %div3A_796 = arith.divf %add3A_785, %div3A_795 : vector<256x256xf32>
    %add3A_797 = arith.constant 1.000000e-10 : f32
    %add3A_798 = vector.broadcast %add3A_797 : f32 to vector<256x256xf32>
    %add3A_799 = arith.addf %div3A_796, %add3A_798 : vector<256x256xf32>
    %log3A_800 = math.log %add3A_799 : vector<256x256xf32>
    %log3A_801 = arith.constant 2.000000e+00 : f32
    %log3A_802 = math.log %log3A_801 : f32
    %div3A_803 = vector.broadcast %log3A_802 : f32 to vector<256x256xf32>
    %div3A_804 = arith.divf %log3A_800, %div3A_803 : vector<256x256xf32>
    %mul3A_805 = arith.mulf %div3A_796, %div3A_804 : vector<256x256xf32>
    %reduce_sum3A_806 = vector.shape_cast %mul3A_805 : vector<256x256xf32> to vector<1x256x256xf32>
    %reduce_sum3A_807 = arith.constant dense<0.000000e+00> : vector<1xf32>
    %reduce_sum3A_808 = vector.multi_reduction <add>, %reduce_sum3A_806, %reduce_sum3A_807 [1, 2] : vector<1x256x256xf32> to vector<1xf32>
    %reduce_sum3A_809 = vector.shape_cast %reduce_sum3A_808 : vector<1xf32> to vector<1x1x1xf32>
    %reduce_sum3A_810 = vector.extract %reduce_sum3A_809[0, 0, 0] : f32 from vector<1x1x1xf32>
    %neg3A_811 = arith.constant 0.000000e+00 : f32
    %neg3A_812 = arith.subf %neg3A_811, %reduce_sum3A_810 : f32
    %div3A_813 = vector.broadcast %reduce_sum3A_790 : f32 to vector<256xf32>
    %div3A_814 = arith.divf %reduce_sum3A_792, %div3A_813 : vector<256xf32>
    %div3A_815 = vector.broadcast %reduce_sum3A_790 : f32 to vector<256xf32>
    %div3A_816 = arith.divf %reduce_sum3A_794, %div3A_815 : vector<256xf32>
    %add3A_817 = arith.constant 1.000000e-10 : f32
    %add3A_818 = vector.broadcast %add3A_817 : f32 to vector<256xf32>
    %add3A_819 = arith.addf %div3A_814, %add3A_818 : vector<256xf32>
    %log3A_820 = math.log %add3A_819 : vector<256xf32>
    %log3A_821 = arith.constant 2.000000e+00 : f32
    %log3A_822 = math.log %log3A_821 : f32
    %div3A_823 = vector.broadcast %log3A_822 : f32 to vector<256xf32>
    %div3A_824 = arith.divf %log3A_820, %div3A_823 : vector<256xf32>
    %mul3A_825 = arith.mulf %div3A_814, %div3A_824 : vector<256xf32>
    %reduce_sum3A_826 = vector.shape_cast %mul3A_825 : vector<256xf32> to vector<1x256xf32>
    %reduce_sum3A_827 = arith.constant dense<0.000000e+00> : vector<1xf32>
    %reduce_sum3A_828 = vector.multi_reduction <add>, %reduce_sum3A_826, %reduce_sum3A_827 [1] : vector<1x256xf32> to vector<1xf32>
    %reduce_sum3A_829 = vector.shape_cast %reduce_sum3A_828 : vector<1xf32> to vector<1x1xf32>
    %reduce_sum3A_830 = vector.extract %reduce_sum3A_829[0, 0] : f32 from vector<1x1xf32>
    %neg3A_831 = arith.constant 0.000000e+00 : f32
    %neg3A_832 = arith.subf %neg3A_831, %reduce_sum3A_830 : f32
    %add3A_833 = arith.constant 1.000000e-10 : f32
    %add3A_834 = vector.broadcast %add3A_833 : f32 to vector<256xf32>
    %add3A_835 = arith.addf %div3A_816, %add3A_834 : vector<256xf32>
    %log3A_836 = math.log %add3A_835 : vector<256xf32>
    %log3A_837 = arith.constant 2.000000e+00 : f32
    %log3A_838 = math.log %log3A_837 : f32
    %div3A_839 = vector.broadcast %log3A_838 : f32 to vector<256xf32>
    %div3A_840 = arith.divf %log3A_836, %div3A_839 : vector<256xf32>
    %mul3A_841 = arith.mulf %div3A_816, %div3A_840 : vector<256xf32>
    %reduce_sum3A_842 = vector.shape_cast %mul3A_841 : vector<256xf32> to vector<1x256xf32>
    %reduce_sum3A_843 = arith.constant dense<0.000000e+00> : vector<1xf32>
    %reduce_sum3A_844 = vector.multi_reduction <add>, %reduce_sum3A_842, %reduce_sum3A_843 [1] : vector<1x256xf32> to vector<1xf32>
    %reduce_sum3A_845 = vector.shape_cast %reduce_sum3A_844 : vector<1xf32> to vector<1x1xf32>
    %reduce_sum3A_846 = vector.extract %reduce_sum3A_845[0, 0] : f32 from vector<1x1xf32>
    %sub3A_847 = arith.subf %neg3A_832, %reduce_sum3A_846 : f32
    %sub3A_848 = arith.subf %sub3A_847, %neg3A_812 : f32
    %div3A_849 = arith.divf %sub3A_848, %sub3A_847 : f32
    %add3A_850 = arith.addf %add3A_748, %div3A_849 : f32
    %add3A_851 = arith.addf %add3A_749, %sub3A_847 : f32
    %add3A_852 = arith.addf %add3A_750, %neg3A_812 : f32
    %get3A_853 = arith.constant 29 : index
    %get3A_854 = arith.constant 0 : index
    %get3A_855 = arith.constant 0 : index
    %get3A_856 = vector.load %arg0[%get3A_853, %get3A_854, %get3A_855] : memref<64x256x256xf32, #tpu.memory_space<vmem>>, vector<1x256x256xf32>
    %get3A_857 = vector.shape_cast %get3A_856 : vector<1x256x256xf32> to vector<256x256xf32>
    %get3A_858 = arith.constant 30 : index
    %get3A_859 = arith.constant 0 : index
    %get3A_860 = arith.constant 0 : index
    %get3A_861 = vector.load %arg0[%get3A_858, %get3A_859, %get3A_860] : memref<64x256x256xf32, #tpu.memory_space<vmem>>, vector<1x256x256xf32>
    %get3A_862 = vector.shape_cast %get3A_861 : vector<1x256x256xf32> to vector<256x256xf32>
    %add3A_863 = arith.addf %get3A_857, %get3A_862 : vector<256x256xf32>
    %get3A_864 = arith.constant 61 : index
    %get3A_865 = arith.constant 0 : index
    %get3A_866 = arith.constant 0 : index
    %get3A_867 = vector.load %arg0[%get3A_864, %get3A_865, %get3A_866] : memref<64x256x256xf32, #tpu.memory_space<vmem>>, vector<1x256x256xf32>
    %get3A_868 = vector.shape_cast %get3A_867 : vector<1x256x256xf32> to vector<256x256xf32>
    %add3A_869 = arith.addf %add3A_863, %get3A_868 : vector<256x256xf32>
    %get3A_870 = arith.constant 62 : index
    %get3A_871 = arith.constant 0 : index
    %get3A_872 = arith.constant 0 : index
    %get3A_873 = vector.load %arg0[%get3A_870, %get3A_871, %get3A_872] : memref<64x256x256xf32, #tpu.memory_space<vmem>>, vector<1x256x256xf32>
    %get3A_874 = vector.shape_cast %get3A_873 : vector<1x256x256xf32> to vector<256x256xf32>
    %add3A_875 = arith.addf %add3A_869, %get3A_874 : vector<256x256xf32>
    %reduce_sum3A_876 = vector.shape_cast %add3A_875 : vector<256x256xf32> to vector<1x256x256xf32>
    %reduce_sum3A_877 = arith.constant dense<0.000000e+00> : vector<1xf32>
    %reduce_sum3A_878 = vector.multi_reduction <add>, %reduce_sum3A_876, %reduce_sum3A_877 [1, 2] : vector<1x256x256xf32> to vector<1xf32>
    %reduce_sum3A_879 = vector.shape_cast %reduce_sum3A_878 : vector<1xf32> to vector<1x1x1xf32>
    %reduce_sum3A_880 = vector.extract %reduce_sum3A_879[0, 0, 0] : f32 from vector<1x1x1xf32>
    %reduce_sum3A_881 = arith.constant dense<0.000000e+00> : vector<256xf32>
    %reduce_sum3A_882 = vector.multi_reduction <add>, %add3A_875, %reduce_sum3A_881 [1] : vector<256x256xf32> to vector<256xf32>
    %reduce_sum3A_883 = arith.constant dense<0.000000e+00> : vector<256xf32>
    %reduce_sum3A_884 = vector.multi_reduction <add>, %add3A_875, %reduce_sum3A_883 [0] : vector<256x256xf32> to vector<256xf32>
    %div3A_885 = vector.broadcast %reduce_sum3A_880 : f32 to vector<256x256xf32>
    %div3A_886 = arith.divf %add3A_875, %div3A_885 : vector<256x256xf32>
    %add3A_887 = arith.constant 1.000000e-10 : f32
    %add3A_888 = vector.broadcast %add3A_887 : f32 to vector<256x256xf32>
    %add3A_889 = arith.addf %div3A_886, %add3A_888 : vector<256x256xf32>
    %log3A_890 = math.log %add3A_889 : vector<256x256xf32>
    %log3A_891 = arith.constant 2.000000e+00 : f32
    %log3A_892 = math.log %log3A_891 : f32
    %div3A_893 = vector.broadcast %log3A_892 : f32 to vector<256x256xf32>
    %div3A_894 = arith.divf %log3A_890, %div3A_893 : vector<256x256xf32>
    %mul3A_895 = arith.mulf %div3A_886, %div3A_894 : vector<256x256xf32>
    %reduce_sum3A_896 = vector.shape_cast %mul3A_895 : vector<256x256xf32> to vector<1x256x256xf32>
    %reduce_sum3A_897 = arith.constant dense<0.000000e+00> : vector<1xf32>
    %reduce_sum3A_898 = vector.multi_reduction <add>, %reduce_sum3A_896, %reduce_sum3A_897 [1, 2] : vector<1x256x256xf32> to vector<1xf32>
    %reduce_sum3A_899 = vector.shape_cast %reduce_sum3A_898 : vector<1xf32> to vector<1x1x1xf32>
    %reduce_sum3A_900 = vector.extract %reduce_sum3A_899[0, 0, 0] : f32 from vector<1x1x1xf32>
    %neg3A_901 = arith.constant 0.000000e+00 : f32
    %neg3A_902 = arith.subf %neg3A_901, %reduce_sum3A_900 : f32
    %div3A_903 = vector.broadcast %reduce_sum3A_880 : f32 to vector<256xf32>
    %div3A_904 = arith.divf %reduce_sum3A_882, %div3A_903 : vector<256xf32>
    %div3A_905 = vector.broadcast %reduce_sum3A_880 : f32 to vector<256xf32>
    %div3A_906 = arith.divf %reduce_sum3A_884, %div3A_905 : vector<256xf32>
    %add3A_907 = arith.constant 1.000000e-10 : f32
    %add3A_908 = vector.broadcast %add3A_907 : f32 to vector<256xf32>
    %add3A_909 = arith.addf %div3A_904, %add3A_908 : vector<256xf32>
    %log3A_910 = math.log %add3A_909 : vector<256xf32>
    %log3A_911 = arith.constant 2.000000e+00 : f32
    %log3A_912 = math.log %log3A_911 : f32
    %div3A_913 = vector.broadcast %log3A_912 : f32 to vector<256xf32>
    %div3A_914 = arith.divf %log3A_910, %div3A_913 : vector<256xf32>
    %mul3A_915 = arith.mulf %div3A_904, %div3A_914 : vector<256xf32>
    %reduce_sum3A_916 = vector.shape_cast %mul3A_915 : vector<256xf32> to vector<1x256xf32>
    %reduce_sum3A_917 = arith.constant dense<0.000000e+00> : vector<1xf32>
    %reduce_sum3A_918 = vector.multi_reduction <add>, %reduce_sum3A_916, %reduce_sum3A_917 [1] : vector<1x256xf32> to vector<1xf32>
    %reduce_sum3A_919 = vector.shape_cast %reduce_sum3A_918 : vector<1xf32> to vector<1x1xf32>
    %reduce_sum3A_920 = vector.extract %reduce_sum3A_919[0, 0] : f32 from vector<1x1xf32>
    %neg3A_921 = arith.constant 0.000000e+00 : f32
    %neg3A_922 = arith.subf %neg3A_921, %reduce_sum3A_920 : f32
    %add3A_923 = arith.constant 1.000000e-10 : f32
    %add3A_924 = vector.broadcast %add3A_923 : f32 to vector<256xf32>
    %add3A_925 = arith.addf %div3A_906, %add3A_924 : vector<256xf32>
    %log3A_926 = math.log %add3A_925 : vector<256xf32>
    %log3A_927 = arith.constant 2.000000e+00 : f32
    %log3A_928 = math.log %log3A_927 : f32
    %div3A_929 = vector.broadcast %log3A_928 : f32 to vector<256xf32>
    %div3A_930 = arith.divf %log3A_926, %div3A_929 : vector<256xf32>
    %mul3A_931 = arith.mulf %div3A_906, %div3A_930 : vector<256xf32>
    %reduce_sum3A_932 = vector.shape_cast %mul3A_931 : vector<256xf32> to vector<1x256xf32>
    %reduce_sum3A_933 = arith.constant dense<0.000000e+00> : vector<1xf32>
    %reduce_sum3A_934 = vector.multi_reduction <add>, %reduce_sum3A_932, %reduce_sum3A_933 [1] : vector<1x256xf32> to vector<1xf32>
    %reduce_sum3A_935 = vector.shape_cast %reduce_sum3A_934 : vector<1xf32> to vector<1x1xf32>
    %reduce_sum3A_936 = vector.extract %reduce_sum3A_935[0, 0] : f32 from vector<1x1xf32>
    %sub3A_937 = arith.subf %neg3A_922, %reduce_sum3A_936 : f32
    %sub3A_938 = arith.subf %sub3A_937, %neg3A_902 : f32
    %div3A_939 = arith.divf %sub3A_938, %sub3A_937 : f32
    %add3A_940 = arith.addf %add3A_850, %div3A_939 : f32
    %add3A_941 = arith.addf %add3A_851, %sub3A_937 : f32
    %add3A_942 = arith.addf %add3A_852, %neg3A_902 : f32
    %div3A_943 = arith.constant 1.000000e+01 : f32
    %div3A_944 = arith.divf %add3A_940, %div3A_943 : f32
    %swap3A = arith.constant 0 : index
    %swap3A_945 = memref.load %arg1[%swap3A] : memref<1xf32, #tpu.memory_space<smem>>
    memref.store %div3A_944, %arg1[%swap3A] : memref<1xf32, #tpu.memory_space<smem>>
    %div3A_946 = arith.constant 1.000000e+01 : f32
    %div3A_947 = arith.divf %add3A_941, %div3A_946 : f32
    %swap3A_948 = arith.constant 0 : index
    %swap3A_949 = memref.load %arg2[%swap3A_948] : memref<1xf32, #tpu.memory_space<smem>>
    memref.store %div3A_947, %arg2[%swap3A_948] : memref<1xf32, #tpu.memory_space<smem>>
    %div3A_950 = arith.constant 1.000000e+01 : f32
    %div3A_951 = arith.divf %add3A_942, %div3A_950 : f32
    %swap3A_952 = arith.constant 0 : index
    %swap3A_953 = memref.load %arg3[%swap3A_952] : memref<1xf32, #tpu.memory_space<smem>>
    memref.store %div3A_951, %arg3[%swap3A_952] : memref<1xf32, #tpu.memory_space<smem>>
    return
  }
}

</mosaic_0001>

<sc_bundles>
// kernel: kernel.4.cloned.1.call-start
scs
__scs_entry_jumppad:
0x0: {  	(pc) =	sbr.rel $0x88, $3  }
0x1: {  	(tag) =	ssettag $0x0;
	lr =	simm.s32 $0x1  }
0x2: {  	[smem:$0x3FA0] =	sst lr;
	_ =	strace $0xD0000000  }
0x3: {  	_ = 	snop  }
0x4: {  	_ = 	snop  }
0x5: {  	_ = 	snop  }
0x6: {  	_ = 	snop  }
0x7: {  	_ = 	snop  }
__scs_overlays_trampoline_lowered:
0x8: {  	[smem:$0x3FAF] =	sst s0  }
0x9: {  	[smem:$0x3FB0] =	sst s1  }
0xa: {  	[smem:$0x3FB1] =	sst s2  }
0xb: {  	[smem:$0x3FB2] =	sst s3  }
0xc: {  	[smem:$0x3FB3] =	sst s4  }
0xd: {  	[smem:$0x3FB4] =	sst s5  }
0xe: {  	[smem:$0x3FB5] =	sst s6  }
0xf: {  	[smem:$0x3FB6] =	sst s7  }
0x10: {  	[smem:$0x3FB7] =	sst s8  }
0x11: {  	[smem:$0x3FB8] =	sst s9;
	s0 =	simm.s32 @!p0 $0x0  }
0x12: {  	s1 =	sld [smem:$0x3F9E];
	s0 =	simm.s32 @p0 $0x1  }
0x13: {  	[smem:$0x3FB9] =	sst s0;
	s0 =	simm.s32 @!p1 $0x0  }
0x14: {  	s2 =	sld [smem:$0x3F9D];
	s0 =	simm.s32 @p1 $0x1  }
0x15: {  	[smem:$0x3FBA] =	sst s0;
	s0 =	simm.s32 @!p2 $0x0  }
0x16: {  	s3 =	sld [smem:$0x3FDB];
	s0 =	simm.s32 @p2 $0x1  }
0x17: {  	s4 =	simm.s32 $0x1BF5;
	[smem:$0x3FBC] =	sst s0  }
0x18: {  	s0 =	sld [smem:$0x3F9F];
	_ =	swait.ge [sflag:s4], $0x0  }
0x19: {  	s7 =	sld [smem:$0x3FA0]  }
0x1a: {  	s8 =	sadd.s32 $0xFFFFE003, lr  }
0x1b: {  	s9 =	sadd.s32 $0xFFFFFEF7, lr;
	s5 =	simm.s32 $0xFFFFFFFF;
	p2 =	slt.u32 s8, $0xFFFFF086  }
0x1c: {  	p1 =	slt.u32 s9, $0xF7A;
	s5 =	simm.s32 @!p2 $0x0  }
0x1d: {  	s5 =	simm.s32 @p1 $0x1;
	p0 =	seq.s32 s7, s2  }
0x1e: {  	s7 =	smul.u32 @!p0 $0xF7A, s2;
	p2 =	seq.s32 @!p0 s5, $0x0  }
0x1f: {  	s9 =	smul.u32 $0xF7A, s1;
	s8 =	simm.s32 @!p0 $0x1BF5;
	p2 =	por !p2, p0  }
0x20: {  	[sflag:s8] =	ssyncset.s32 @!p0 $0xFFFFF086;
	s6 =	sadd.s32 @!p0 s3, s7;
	s7 =	simm.s32 @!p0 $0x108  }
0x21: {  	s3 =	sadd.s32 s3, s9;
	s6 =	sadd.s32 @!p0 $0x88, s6;
	s7 =	simm.s32 @p2 $0x1082  }
0x22: {  	[simem:s7], [sflag:s8] =	dma.local @!p0 [hbm:s6], $0xF7A  }
0x23: {  	s9 =	sor.u32 $0xD0000000, s2;
	s6 =	simm.s32 $0x108;
	_ =	swait.ge @!p0 [sflag:s8], $0x0  }
0x24: {  	s3 =	sadd.s32 $0x88, s3;
	s6 =	simm.s32 @!p1 $0x1082;
	[sflag:s4] =	ssyncset.s32 $0xFFFFF086  }
0x25: {  	[simem:s6], [sflag:s4] =	dma.local [hbm:s3], $0xF7A  }
0x26: {  	[smem:$0x3FA0] =	sst s1;
	(tag) =	ssettag s2;
	_ =	strace s9  }
0x27: {  	s1 =	sld [smem:$0x3FB0]  }
0x28: {  	s2 =	sld [smem:$0x3FB1]  }
0x29: {  	s4 =	sld [smem:$0x3FB3]  }
0x2a: {  	p0 =	seq.s32 s5, $0x0;
	s5 =	sld [smem:$0x3FB4]  }
0x2b: {  	s6 =	sld [smem:$0x3FB5]  }
0x2c: {  	s7 =	sld [smem:$0x3FB6]  }
0x2d: {  	s3 =	simm.s32 $0x108;
	s8 =	sld [smem:$0x3FB7]  }
0x2e: {  	s3 =	simm.s32 @!p0 $0x1082;
	s9 =	sld [smem:$0x3FB8]  }
0x2f: {  	lr =	sadd.s32 s0, s3;
	s0 =	sld [smem:$0x3FAF]  }
0x30: {  	s3 =	sld [smem:$0x3FB2]  }
0x31: {  	[smem:$0x3FBB] =	sst s10  }
0x32: {  	s10 =	sld [smem:$0x3FB9];
	_ =	sdelay $0x3  }
0x33: {  	p0 =	seq.s32 s10, $0x1;
	s10 =	sld [smem:$0x3FBB];
	_ =	sdelay $0x3  }
0x34: {  	[smem:$0x3FBB] =	sst s10  }
0x35: {  	s10 =	sld [smem:$0x3FBA];
	_ =	sdelay $0x3  }
0x36: {  	p1 =	seq.s32 s10, $0x1;
	s10 =	sld [smem:$0x3FBB];
	_ =	sdelay $0x3  }
0x37: {  	[smem:$0x3FBB] =	sst s10  }
0x38: {  	s10 =	sld [smem:$0x3FBC]  }
0x39: {  	_ = 	snop;
	(pc) =	sbr.ind lr, $3  }
0x3a: {  	_ = 	snop  }
0x3b: {  	_ = 	snop  }
0x3c: {  	p2 =	seq.s32 s10, $0x1;
	s10 =	sld [smem:$0x3FBB]  }
0x3d: {  	_ =	shalt  }
0x3e: {  	_ =	shalt  }
0x3f: {  	_ =	shalt  }
0x40: {  	_ =	shalt  }
0x41: {  	_ =	shalt  }
0x42: {  	_ =	shalt  }
0x43: {  	_ =	shalt  }
0x44: {  	_ =	shalt  }
0x45: {  	_ =	shalt  }
0x46: {  	_ =	shalt  }
0x47: {  	_ =	shalt  }
0x48: {  	_ =	shalt  }
0x49: {  	_ =	shalt  }
0x4a: {  	_ =	shalt  }
0x4b: {  	_ =	shalt  }
0x4c: {  	_ =	shalt  }
0x4d: {  	_ =	shalt  }
0x4e: {  	_ =	shalt  }
0x4f: {  	_ =	shalt  }
0x50: {  	_ =	shalt  }
0x51: {  	_ =	shalt  }
0x52: {  	_ =	shalt  }
0x53: {  	_ =	shalt  }
0x54: {  	_ =	shalt  }
0x55: {  	_ =	shalt  }
0x56: {  	_ =	shalt  }
0x57: {  	_ =	shalt  }
0x58: {  	_ =	shalt  }
0x59: {  	_ =	shalt  }
0x5a: {  	_ =	shalt  }
0x5b: {  	_ =	shalt  }
0x5c: {  	_ =	shalt  }
0x5d: {  	_ =	shalt  }
0x5e: {  	_ =	shalt  }
0x5f: {  	_ =	shalt  }
0x60: {  	_ =	shalt  }
0x61: {  	_ =	shalt  }
0x62: {  	_ =	shalt  }
0x63: {  	_ =	shalt  }
0x64: {  	_ =	shalt  }
0x65: {  	_ =	shalt  }
0x66: {  	_ =	shalt  }
0x67: {  	_ =	shalt  }
0x68: {  	_ =	shalt  }
0x69: {  	_ =	shalt  }
0x6a: {  	_ =	shalt  }
0x6b: {  	_ =	shalt  }
0x6c: {  	_ =	shalt  }
0x6d: {  	_ =	shalt  }
0x6e: {  	_ =	shalt  }
0x6f: {  	_ =	shalt  }
0x70: {  	_ =	shalt  }
0x71: {  	_ =	shalt  }
0x72: {  	_ =	shalt  }
0x73: {  	_ =	shalt  }
0x74: {  	_ =	shalt  }
0x75: {  	_ =	shalt  }
0x76: {  	_ =	shalt  }
0x77: {  	_ =	shalt  }
0x78: {  	_ =	shalt  }
0x79: {  	_ =	shalt  }
0x7a: {  	_ =	shalt  }
0x7b: {  	_ =	shalt  }
0x7c: {  	_ =	shalt  }
0x7d: {  	_ =	shalt  }
0x7e: {  	_ =	shalt  }
0x7f: {  	_ =	shalt  }
0x80: {  	_ =	shalt  }
0x81: {  	_ =	shalt  }
0x82: {  	_ =	shalt  }
0x83: {  	_ =	shalt  }
0x84: {  	_ =	shalt  }
0x85: {  	_ =	shalt  }
0x86: {  	_ =	shalt  }
0x87: {  	_ =	shalt  }
.Lfunc_end0:
.L_simem_size_0:
called_computation.1_lowered:
.L_overlay_start_0:
0x88: {  	s2 =	sld [smem:$0x3FD9]  }
0x89: {  	s3 =	sld [smem:$0x3FFE];
	_ =	sdelay $0x1  }
0x8a: {  	s1 =	srdreg.scid  }
0x8b: {  	s0 =	sand.u32 $0x1, s1  }
0x8c: {  	s16 =	sshll.u32 s0, $0xA;
	s2 =	sadd.s32 s3, s2  }
0x8d: {  	s2 =	sadd.s32 s2, s16  }
0x8e: {  	[smem:$0x3FC7] =	sst s2  }
0x8f: {  	_ = 	snop  }
0x90: {  	(tm) =	ssettm $0x1  }
0x91: {  	s17 =	sld [smem:$0x3FFB];
	_ =	sdelay $0x3  }
0x92: {  	_ =	strace s17  }
0x93: {  	s2 =	sld [smem:$0x3FFC];
	_ =	sdelay $0x3  }
0x94: {  	_ =	strace s2  }
0x95: {  	s2 =	sld [smem:$0x3FFD];
	_ =	sdelay $0x3  }
0x96: {  	_ =	strace s2  }
0x97: {  	_ =	strace $0x8FFFFFFF  }
0x98: {  	s18 =	sld [smem:$0x3FDB];
	_ =	sdelay $0x1  }
0x99: {  	s19 =	simm.s32 $_scs_section_size  }
0x9a: {  	s4 =	simm.s32 $_size__tile_overlayer_lowered;
	s5 =	simm.s32 $_tile_overlayer_lowered  }
0x9b: {  	s22 =	simm.s32 $0x1BFF;
	s21 =	sshll.u32 s5, $0x1;
	s2 =	sadd.s32 s19, s18  }
0x9c: {  	s6 =	simm.s32 $0x0;
	s20 =	sshll.u32 s4, $0x1;
	s4 =	sadd.s32 s21, s2  }
0x9d: {  	[timem:s6], [sflag:s22] =	dma.local [hbm:s4], s20  }
0x9e: {  	_ =	swait.ge [sflag:s22], s20  }
0x9f: {  	s3 =	ssub.s32 $0x0, s20;
	[sflag:s22] =	ssyncset.done $0x0  }
0xa0: {  	[sflag:s22] =	ssyncadd.s32 s3;
	_ =	sdelay $0x1  }
0xa1: {  	s23 =	simm.s32 $0x1B8B  }
0xa2: {  	_ =	swait.ge [sflag:s23], $0x1  }
0xa3: {  	[sflag:s23] =	ssyncset.done $0x0  }
0xa4: {  	s25 =	simm.s32 $0x1B8E;
	s24 =	sld [smem:$0x3FFE];
	[sflag:s23] =	ssyncadd.s32 $0xFFFFFFFF  }
0xa5: {  	s26 =	simm.s32 $execute0_lowered;
	[smem:$0x3FD2] =	sst s25  }
0xa6: {  	s4 =	sshll.u32 s26, $0x1;
	_ =	strace $0x80000049;
	[dreg:$0x1] =	wrdreg $0xFFFFFFFF  }
0xa7: {  	s28 =	simm.s32 $_size_execute0_lowered;
	s2 =	sadd.s32 s2, s4;
	[dreg:$0x0] =	wrdreg $0x0  }
0xa8: {  	s4 =	sshll.u32 s28, $0x1;
	[dreg:$0x2] =	wrdreg s2  }
0xa9: {  	[dreg:$0x3] =	wrdreg s4  }
0xaa: {  	[dreg:$0x4] =	wrdreg $0xC0  }
0xab: {  	_ =	task [dreg:s6], $0x5FFFF  }
0xac: {  	[dreg:$0x1] =	wrdreg $0xFFFFFFFF  }
0xad: {  	[dreg:$0x0] =	wrdreg $0x60  }
0xae: {  	[dreg:$0x2] =	wrdreg s24  }
0xaf: {  	[dreg:$0x3] =	wrdreg $0x9  }
0xb0: {  	_ =	task.clear_ibuf [dreg:s6], $0x4FFFF;
	_ =	strace $0x90000049  }
0xb1: {  	s29 =	simm.s32 $0x9;
	_ =	strace $0x8000004B  }
0xb2: {  	_ =	swait.ge [sflag:s29], $0x1  }
0xb3: {  	[sflag:s29] =	ssyncadd.s32 $0xFFFFFFFF  }
0xb4: {  	_ =	strace $0x9000004B  }
0xb5: {  	_ =	sfence  }
0xb6: {  	s30 =	sld [smem:$0x0];
	_ =	sdelay $0x2  }
0xb7: {  	s31 =	sshll.u32 s1, $0xD;
	s1 =	sshrl.u32 s1, $0x2  }
0xb8: {  	s3 =	sand.u32 $0x4000, s31;
	s1 =	sadd.s32 s1, s30  }
0xb9: {  	s0 =	sor.u32 s3, s0;
	s1 =	sshll.u32 s1, $0x11  }
0xba: {  	s0 =	sor.u32 s1, s0  }
0xbb: {  	s0 =	sadd.s32 $0x8F2B, s0  }
0xbc: {  	[sflag:s0] =	ssyncadd.remote.s32 $0x1  }
0xbd: {  	_ =	sfence.sel $0xFFFF  }
0xbe: {  	[dreg:$0x0] =	wrdreg $0xFFFFFFFF;
	(pc) =	sbr.abs _section_cstart, $3  }
0xbf: {  	[dreg:$0x1] =	wrdreg $0xFFFFFFFF  }
0xc0: {  	_ =	task.clear_ibuf [dreg:s6], $0x2FFFF;
	_ =	strace $0x9FFFFFFF  }
0xc1: {  	(tm) =	ssettm $0x7FFFFFFF  }
tec
execute0_lowered:
.L_overlay_start_1:
0x0: {  	(tag) =	ssettag $0x1  }
0x1: {  	s4 =	rddreg [dreg:$0x0]  }
0x2: {  	s0 =	rddreg [dreg:$0x1];
	s2 =	simm.s32 $0x0  }
0x3: {  	s3 =	srdreg.scid;
	s1 =	stileid.u32;
	s12 =	simm.s32 $0x1  }
0x4: {  	s13 =	simm.s32 $0x14000;
	[smem:$0x7FF] =	sst s2;
	s5 =	sand.u32 $0x1, s3  }
0x5: {  	s7 =	sshll.u32 s1, $0xE;
	s8 =	smul.u32 $0x50000, s1;
	s3 =	sadd.s32 $0x280A00, s4  }
0x6: {  	s26 =	smul.u32 $0x140000, s1;
	_ =	strace $0x8000004A;
	s6 =	sshll.u32 s5, $0x12  }
0x7: {  	s25 =	ssub.s32 $0x2, s5;
	s5 =	sshll.u32 s5, $0x13;
	s6 =	sor.u32 s7, s6  }
0x8: {  	s9 =	sshrl.u32 s25, $0x1;
	s14 =	sand.u32 $0x70000, s8;
	s30 =	sand.u32 $0x1E00000, s26  }
0x9: {  	s10 =	sadd.s32 s6, s4;
	s11 =	ssub.s32 s25, s9;
	s28 =	ssub.s32 $0x80000, s14  }
.Ltmp0:
0xa: {  	s7 =	sor.u32 s30, s5;
	p0 =	slt.u32 s14, $0x30001;
	(pc) =	sbr.rel .LBB2_1-.Ltmp0, $4  }
0xb: {  	s29 =	smin.u32 s28, $0x50000;
	s5 =	sor.u32 s14, s7;
	s7 =	sadd.s32 $0x200000, s7  }
0xc: {  	s8 =	sadd.s32 $0x2A00, s10;
	s14 =	simm.s32 $0x0;
	s6 =	ssub.s32 $0x50000, s29  }
0xd: {  	s4 =	sshrl.u32 s29, $0xE;
	s31 =	sshrl.u32 s6, $0xE;
	s6 =	sadd.s32 $0xA00, s10  }
0xe: {  	v0 =	vimm.f32 $0.0e+00;
	v1 =	vimm.f32 $1.000000000e+00;
	s10 =	smax.u32 s11, $0x1;
	s11 =	simm.s32 $0x10000;
	s9 =	smax.u32 s31, $0x1  }
.LBB2_15:
0xf: {  	s14 =	sadd.s32 $0x1, s14  }
0x10: {  	p1 =	sne.s32 s14, s10  }
.Ltmp1:
0x11: {  	_ = 	snop;
	(pc) =	sbr.rel @!p1 .LBB2_16-.Ltmp1, $1  }
0x12: {  	_ =	sdelay $0x3  }
.LBB2_1:
0x13: {  	s15 =	simm.s32 $0x100;
	s16 =	simm.s32 $0x0  }
.LBB2_2:
0x14: {  	p1 =	sne.s32 s15, $0x3FF00;
	[tilespmem:s16+$0x30] =	vst v0;
	s17 =	smov.u32 s15;
	s15 =	sadd.s32 $0x100, s15  }
.Ltmp2:
0x15: {  	[tilespmem:s16+$0x20] =	vst v0;
	(pc) =	sbr.rel @p1 .LBB2_2-.Ltmp2, $3  }
0x16: {  	[tilespmem:s16+$0x0] =	vst v0  }
0x17: {  	[tilespmem:s16+$0x10] =	vst v0;
	_ =	sdelay $0x1  }
0x18: {  	s16 =	sshra.s32 s17, $0x2  }
0x19: {  	[tilespmem:s16+$0x30] =	vst v0  }
0x1a: {  	[tilespmem:s16+$0x20] =	vst v0  }
0x1b: {  	[tilespmem:s16+$0x0] =	vst v0  }
0x1c: {  	s15 =	simm.s32 $0x0;
	[tilespmem:s16+$0x10] =	vst v0;
	s16 =	simm.s32 $0x0  }
.LBB2_4:
0x1d: {  	s17 =	sshll.u32 s16, $0xE  }
0x1e: {  	s17 =	sadd.s32 s17, s5  }
0x1f: {  	s17 =	sshrl.u32 s17, $0x3  }
0x20: {  	s17 =	sadd.s32 s3, s17  }
0x21: {  	[tilespmem:s11], [sflag:$0x1] =	stream.linear.gather [hbm4b:s17+s15], $0x4000, $0x38;
	[tilespmem:$0x18000] =	vst v63  }
0x22: {  	_ =	swait.ge [sflag:s12], $0x4000  }
0x23: {  	[sflag:s12] =	ssyncset.done $0x0  }
0x24: {  	s17 =	sadd.s32 $0x20000, s17;
	[sflag:s12] =	ssyncadd.s32 $0xFFFFC000  }
0x25: {  	[tilespmem:s13], [sflag:$0x1] =	stream.linear.gather [hbm4b:s17+s15], $0x4000, $0x38;
	[tilespmem:$0x18000] =	vst v63  }
0x26: {  	_ =	swait.ge [sflag:s12], $0x4000  }
0x27: {  	[sflag:s12] =	ssyncset.done $0x0  }
0x28: {  	s17 =	simm.s32 $0x0;
	[sflag:s12] =	ssyncadd.s32 $0xFFFFC000  }
.LBB2_5:
0x29: {  	s18 =	sshra.s32 s17, $0x2  }
0x2a: {  	v2 =	vld [tilespmem:s18+$0x10000]  }
0x2b: {  	v3 =	vld [tilespmem:s18+$0x14000];
	_ =	sdelay $0x3  }
0x2c: {  	v2 =	vshll.u32 v2, $0x8  }
0x2d: {  	v2 =	vadd.s32 v3, v2;
	_ =	sdelay $0x4  }
0x2e: {  	[tilespmem:v2+s2+$0x0] =	vst.idx.add.f32.msk $0xffff, v1  }
0x2f: {  	v2 =	vld [tilespmem:s18+$0x10010]  }
0x30: {  	v3 =	vld [tilespmem:s18+$0x14010];
	_ =	sdelay $0x3  }
0x31: {  	v2 =	vshll.u32 v2, $0x8  }
0x32: {  	v2 =	vadd.s32 v3, v2;
	_ =	sdelay $0x4  }
0x33: {  	[tilespmem:v2+s2+$0x0] =	vst.idx.add.f32.msk $0xffff, v1  }
0x34: {  	v2 =	vld [tilespmem:s18+$0x10020]  }
0x35: {  	v3 =	vld [tilespmem:s18+$0x14020];
	_ =	sdelay $0x3  }
0x36: {  	v2 =	vshll.u32 v2, $0x8  }
0x37: {  	v2 =	vadd.s32 v3, v2;
	_ =	sdelay $0x4  }
0x38: {  	[tilespmem:v2+s2+$0x0] =	vst.idx.add.f32.msk $0xffff, v1  }
0x39: {  	v2 =	vld [tilespmem:s18+$0x10030]  }
0x3a: {  	v3 =	vld [tilespmem:s18+$0x14030];
	_ =	sdelay $0x3  }
0x3b: {  	v2 =	vshll.u32 v2, $0x8  }
0x3c: {  	p1 =	sne.s32 s17, $0xFF00;
	v2 =	vadd.s32 v3, v2  }
.Ltmp3:
0x3d: {  	_ = 	snop;
	(pc) =	sbr.rel @p1 .LBB2_5-.Ltmp3, $2  }
0x3e: {  	_ =	sdelay $0x2  }
0x3f: {  	s17 =	sadd.s32 $0x100, s17;
	[tilespmem:v2+s2+$0x0] =	vst.idx.add.f32.msk $0xffff, v1  }
0x40: {  	s16 =	sadd.s32 $0x1, s16  }
0x41: {  	p1 =	sne.s32 s16, s4  }
.Ltmp4:
0x42: {  	_ = 	snop;
	(pc) =	sbr.rel @p1 .LBB2_4-.Ltmp4, $1  }
0x43: {  	_ =	sdelay $0x3  }
.Ltmp5:
0x44: {  	s15 =	simm.s32 $0x0;
	(pc) =	sbr.rel @p0 .LBB2_15-.Ltmp5, $4  }
0x45: {  	[hbm4b:s6+s15] =	stream.linear.scatter [tilespmem:s15], [sflag:$0x1], $0x10000, $0x38;
	[tilespmem:$0x18000] =	vst v63  }
0x46: {  	_ =	swait.ge [sflag:s12], $0x10000  }
0x47: {  	[sflag:s12] =	ssyncset.done $0x0  }
0x48: {  	[sflag:s12] =	ssyncadd.s32 $0xFFFF0000  }
0x49: {  	s17 =	simm.s32 $0x100;
	s16 =	simm.s32 $0x0  }
.LBB2_9:
0x4a: {  	p1 =	sne.s32 s17, $0x3FF00;
	[tilespmem:s16+$0x30] =	vst v0;
	s18 =	smov.u32 s17;
	s17 =	sadd.s32 $0x100, s17  }
.Ltmp6:
0x4b: {  	[tilespmem:s16+$0x20] =	vst v0;
	(pc) =	sbr.rel @p1 .LBB2_9-.Ltmp6, $3  }
0x4c: {  	[tilespmem:s16+$0x0] =	vst v0  }
0x4d: {  	[tilespmem:s16+$0x10] =	vst v0;
	_ =	sdelay $0x1  }
0x4e: {  	s16 =	sshra.s32 s18, $0x2  }
0x4f: {  	[tilespmem:s16+$0x30] =	vst v0  }
0x50: {  	[tilespmem:s16+$0x20] =	vst v0  }
0x51: {  	[tilespmem:s16+$0x0] =	vst v0  }
0x52: {  	[tilespmem:s16+$0x10] =	vst v0  }
.LBB2_11:
0x53: {  	s16 =	sshll.u32 s15, $0xE  }
0x54: {  	s17 =	sadd.s32 s16, s7  }
0x55: {  	s16 =	sshrl.u32 s17, $0x3  }
0x56: {  	s18 =	sadd.s32 s3, s16;
	s16 =	simm.s32 $0x0  }
0x57: {  	[tilespmem:s11], [sflag:$0x1] =	stream.linear.gather [hbm4b:s18+s16], $0x4000, $0x38;
	[tilespmem:$0x18000] =	vst v63  }
0x58: {  	s17 =	sadd.s32 $0x100000, s17;
	_ =	swait.ge [sflag:s12], $0x4000  }
0x59: {  	s17 =	sshrl.u32 s17, $0x3;
	[sflag:s12] =	ssyncset.done $0x0  }
0x5a: {  	s17 =	sadd.s32 s3, s17;
	[sflag:s12] =	ssyncadd.s32 $0xFFFFC000  }
0x5b: {  	[tilespmem:s13], [sflag:$0x1] =	stream.linear.gather [hbm4b:s17+s16], $0x4000, $0x38;
	[tilespmem:$0x18000] =	vst v63  }
0x5c: {  	_ =	swait.ge [sflag:s12], $0x4000  }
0x5d: {  	[sflag:s12] =	ssyncset.done $0x0  }
0x5e: {  	[sflag:s12] =	ssyncadd.s32 $0xFFFFC000  }
.LBB2_12:
0x5f: {  	s17 =	sshra.s32 s16, $0x2  }
0x60: {  	v2 =	vld [tilespmem:s17+$0x10000]  }
0x61: {  	v3 =	vld [tilespmem:s17+$0x14000];
	_ =	sdelay $0x3  }
0x62: {  	v2 =	vshll.u32 v2, $0x8  }
0x63: {  	v2 =	vadd.s32 v3, v2;
	_ =	sdelay $0x4  }
0x64: {  	[tilespmem:v2+s2+$0x0] =	vst.idx.add.f32.msk $0xffff, v1  }
0x65: {  	v2 =	vld [tilespmem:s17+$0x10010]  }
0x66: {  	v3 =	vld [tilespmem:s17+$0x14010];
	_ =	sdelay $0x3  }
0x67: {  	v2 =	vshll.u32 v2, $0x8  }
0x68: {  	v2 =	vadd.s32 v3, v2;
	_ =	sdelay $0x4  }
0x69: {  	[tilespmem:v2+s2+$0x0] =	vst.idx.add.f32.msk $0xffff, v1  }
0x6a: {  	v2 =	vld [tilespmem:s17+$0x10020]  }
0x6b: {  	v3 =	vld [tilespmem:s17+$0x14020];
	_ =	sdelay $0x3  }
0x6c: {  	v2 =	vshll.u32 v2, $0x8  }
0x6d: {  	v2 =	vadd.s32 v3, v2;
	_ =	sdelay $0x4  }
0x6e: {  	[tilespmem:v2+s2+$0x0] =	vst.idx.add.f32.msk $0xffff, v1  }
0x6f: {  	v2 =	vld [tilespmem:s17+$0x10030]  }
0x70: {  	v3 =	vld [tilespmem:s17+$0x14030];
	_ =	sdelay $0x3  }
0x71: {  	v2 =	vshll.u32 v2, $0x8  }
0x72: {  	p1 =	sne.s32 s16, $0xFF00;
	v2 =	vadd.s32 v3, v2  }
.Ltmp7:
0x73: {  	_ = 	snop;
	(pc) =	sbr.rel @p1 .LBB2_12-.Ltmp7, $2  }
0x74: {  	_ =	sdelay $0x2  }
0x75: {  	s16 =	sadd.s32 $0x100, s16;
	[tilespmem:v2+s2+$0x0] =	vst.idx.add.f32.msk $0xffff, v1  }
0x76: {  	s15 =	sadd.s32 $0x1, s15  }
0x77: {  	p1 =	sne.s32 s15, s9  }
.Ltmp8:
0x78: {  	_ = 	snop;
	(pc) =	sbr.rel @p1 .LBB2_11-.Ltmp8, $1  }
0x79: {  	_ =	sdelay $0x3  }
.Ltmp9:
0x7a: {  	(pc) =	sbr.rel .LBB2_15-.Ltmp9, $4  }
0x7b: {  	[hbm4b:s8+s2] =	stream.linear.scatter [tilespmem:s2], [sflag:$0x1], $0x10000, $0x38;
	[tilespmem:$0x18000] =	vst v63  }
0x7c: {  	_ =	swait.ge [sflag:s12], $0x10000  }
0x7d: {  	[sflag:s12] =	ssyncset.done $0x0  }
0x7e: {  	[sflag:s12] =	ssyncadd.s32 $0xFFFF0000  }
.LBB2_16:
0x7f: {  	_ =	sfence.sel $0x180000  }
0x80: {  	[bflag:$0x0] =	sbarrier.arrive $0xFFFF  }
0x81: {  	p0 =	sne.s32 s1, $0x0;
	_ =	strace $0x9000004A  }
0x82: {  	s0 =	sadd.s32 @!p0 $0x100000, s0;
	[bflag:$0x2] =	sbarrier.arrive $0xFFFF  }
0x83: {  	[sflag:s0] =	ssyncadd.tile.s32 @!p0 $0x1;
	_ =	shalt  }
.Lfunc_end2:
_tile_overlayer_lowered:
.L_overlay_start_2:
0x84: {  	(tag) =	ssettag $0x2  }
0x85: {  	s0 =	rddreg [dreg:$0x0];
	s2 =	stileid.u32  }
0x86: {  	s1 =	rddreg [dreg:$0x1];
	p0 =	sne.s32 s2, $0x0  }
0x87: {  	s3 =	rddreg [dreg:$0x2];
	[bflag:$0x3] =	sbarrier.arrive $0xFFFF;
	s2 =	simm.s32 @!p0 $0x1C01  }
0x88: {  	[timem:s3], [sflag:s2] =	dma.local @!p0 [hbm:s0], s1  }
0x89: {  	s0 =	simm.s32 @!p0 $0x1  }
0x8a: {  	_ =	swait.ge @!p0 [sflag:s0], s1  }
0x8b: {  	s1 =	ssub.s32 @!p0 $0x0, s1;
	[sflag:s0] =	ssyncset.done @!p0 $0x0  }
0x8c: {  	[sflag:s0] =	ssyncadd.s32 @!p0 s1  }
0x8d: {  	[bflag:$0x3] =	sbarrier.arrive $0xFFFF  }
0x8e: {  	_ =	shalt  }

// kernel: sparse-core-data-format-call.cloned.1.call-start
scs
called_computation_lowered:
.L_overlay_start_0:
0x0: {  	s1 =	sld [smem:$0x3FD9]  }
0x1: {  	s2 =	sld [smem:$0x3FFE];
	_ =	sdelay $0x1  }
0x2: {  	s3 =	srdreg.scid  }
0x3: {  	s0 =	sand.u32 $0x1, s3  }
0x4: {  	s17 =	sshll.u32 s0, $0xA;
	s1 =	sadd.s32 s2, s1  }
0x5: {  	s1 =	sadd.s32 s1, s17  }
0x6: {  	[smem:$0x3FC7] =	sst s1  }
0x7: {  	_ = 	snop  }
0x8: {  	(tm) =	ssettm $0x1  }
0x9: {  	s18 =	sld [smem:$0x3FFB];
	_ =	sdelay $0x3  }
0xa: {  	_ =	strace s18  }
0xb: {  	s1 =	sld [smem:$0x3FFC];
	_ =	sdelay $0x3  }
0xc: {  	_ =	strace s1  }
0xd: {  	s1 =	sld [smem:$0x3FFD];
	_ =	sdelay $0x3  }
0xe: {  	_ =	strace s1  }
0xf: {  	_ =	strace $0x8FFFFFFF  }
0x10: {  	s19 =	sld [smem:$0x3FDB];
	_ =	sdelay $0x1  }
0x11: {  	s20 =	simm.s32 $_scs_section_size  }
0x12: {  	s4 =	simm.s32 $_size__tile_overlayer_lowered;
	s5 =	simm.s32 $_tile_overlayer_lowered  }
0x13: {  	s23 =	simm.s32 $0x1BFF;
	s22 =	sshll.u32 s5, $0x1;
	s1 =	sadd.s32 s20, s19  }
0x14: {  	s6 =	simm.s32 $0x0;
	s21 =	sshll.u32 s4, $0x1;
	s4 =	sadd.s32 s22, s1  }
0x15: {  	[timem:s6], [sflag:s23] =	dma.local [hbm:s4], s21  }
0x16: {  	_ =	swait.ge [sflag:s23], s21  }
0x17: {  	s2 =	ssub.s32 $0x0, s21;
	[sflag:s23] =	ssyncset.done $0x0  }
0x18: {  	[sflag:s23] =	ssyncadd.s32 s2;
	_ =	sdelay $0x1  }
0x19: {  	s24 =	simm.s32 $0x1B8B  }
0x1a: {  	_ =	swait.ge [sflag:s24], $0x1  }
0x1b: {  	[sflag:s24] =	ssyncset.done $0x0  }
0x1c: {  	s26 =	simm.s32 $0x1B8E;
	s25 =	sld [smem:$0x3FFE];
	[sflag:s24] =	ssyncadd.s32 $0xFFFFFFFF  }
0x1d: {  	s27 =	simm.s32 $execute0_lowered;
	[smem:$0x3FD2] =	sst s26  }
0x1e: {  	s4 =	sshll.u32 s27, $0x1;
	_ =	strace $0x80000046;
	[dreg:$0x1] =	wrdreg $0xFFFFFFFF  }
0x1f: {  	s28 =	simm.s32 $_size_execute0_lowered;
	s1 =	sadd.s32 s1, s4;
	[dreg:$0x0] =	wrdreg $0x0  }
0x20: {  	s4 =	sshll.u32 s28, $0x1;
	[dreg:$0x2] =	wrdreg s1  }
0x21: {  	[dreg:$0x3] =	wrdreg s4  }
0x22: {  	[dreg:$0x4] =	wrdreg $0xC0  }
0x23: {  	_ =	task [dreg:s6], $0x5FFFF  }
0x24: {  	[dreg:$0x1] =	wrdreg $0xFFFFFFFF  }
0x25: {  	[dreg:$0x0] =	wrdreg $0x60  }
0x26: {  	[dreg:$0x2] =	wrdreg s25  }
0x27: {  	[dreg:$0x3] =	wrdreg $0x9  }
0x28: {  	_ =	task.clear_ibuf [dreg:s6], $0x4FFFF;
	_ =	strace $0x90000046  }
0x29: {  	s29 =	simm.s32 $0x9;
	_ =	strace $0x80000048  }
0x2a: {  	_ =	swait.ge [sflag:s29], $0x1  }
0x2b: {  	[sflag:s29] =	ssyncadd.s32 $0xFFFFFFFF  }
0x2c: {  	_ =	strace $0x90000048  }
0x2d: {  	_ =	sfence  }
0x2e: {  	s30 =	sld [smem:$0x0];
	_ =	sdelay $0x2  }
0x2f: {  	s31 =	sshll.u32 s3, $0xD;
	s3 =	sshrl.u32 s3, $0x2  }
0x30: {  	s2 =	sand.u32 $0x4000, s31;
	s1 =	sadd.s32 s3, s30  }
0x31: {  	s0 =	sor.u32 s2, s0;
	s1 =	sshll.u32 s1, $0x11  }
0x32: {  	s0 =	sor.u32 s1, s0  }
0x33: {  	s0 =	sadd.s32 $0x8F2B, s0  }
0x34: {  	[sflag:s0] =	ssyncadd.remote.s32 $0x1  }
0x35: {  	_ =	sfence.sel $0xFFFF  }
0x36: {  	[dreg:$0x0] =	wrdreg $0xFFFFFFFF;
	(pc) =	sbr.abs _section_cstart, $3  }
0x37: {  	[dreg:$0x1] =	wrdreg $0xFFFFFFFF  }
0x38: {  	_ =	task.clear_ibuf [dreg:s6], $0x2FFFF;
	_ =	strace $0x9FFFFFFF  }
0x39: {  	(tm) =	ssettm $0x7FFFFFFF  }
tec
execute0_lowered:
.L_overlay_start_1:
0x0: {  	(tag) =	ssettag $0x1  }
0x1: {  	s0 =	srdreg.scid  }
0x2: {  	s1 =	sshll.u32 s0, $0x4  }
0x3: {  	s0 =	stileid.u32;
	s1 =	sand.u32 $0x10, s1  }
0x4: {  	s1 =	sor.u32 s0, s1  }
0x5: {  	s6 =	rddreg [dreg:$0x0];
	s7 =	simm.s32 $0x2;
	s2 =	sshll.u32 s1, $0x6  }
0x6: {  	s13 =	simm.s32 $0x0;
	s8 =	simm.s32 $0x2000;
	s1 =	ssub.s32 $0x2000, s2  }
0x7: {  	s9 =	simm.s32 $0x100000;
	s14 =	simm.s32 $0x0;
	s3 =	sand.u32 $0x7C0, s1  }
0x8: {  	s11 =	simm.s32 $0x0;
	p0 =	sne.s32 s3, $0x0;
	s3 =	simm.s32 $0x1  }
.Ltmp0:
0x9: {  	s4 =	sshrl.u32 s1, $0xB;
	s3 =	simm.s32 @!p0 $0x0;
	(pc) =	sbr.rel .LBB1_1-.Ltmp0, $4  }
0xa: {  	s12 =	simm.s32 $0x0;
	s1 =	rddreg [dreg:$0x1];
	s4 =	sadd.s32 s3, s4  }
0xb: {  	_ =	strace $0x80000047;
	s3 =	simm.s32 $0x1;
	s4 =	smul.u32 $0xA, s4  }
0xc: {  	s5 =	sadd.s32 $0xA00, s6;
	s6 =	sadd.s32 $0x280A00, s6;
	[sflag:s3] =	ssyncpa.u1 $0x0  }
0xd: {  	s10 =	smov.u32 s2;
	[sflag:s7] =	ssyncpa.u1 $0x0;
	s7 =	sor.u32 $0x1, s4  }
.LBB1_7:
0xe: {  	s15 =	sadd.s32 $0x800, s10  }
0xf: {  	s13 =	simm.s32 $0x1;
	p1 =	sgt.s32 s15, $0x1FFF  }
0x10: {  	s13 =	simm.s32 @!p1 $0x0  }
0x11: {  	s17 =	sadd.s32 s13, s11  }
0x12: {  	s15 =	smov.u32 @p1 s2;
	p1 =	sgt.s32 s17, $0x9  }
0x13: {  	s17 =	simm.s32 @p1 $0x0;
	p1 =	sne.s32 s12, s7  }
.Ltmp1:
0x14: {  	p0 =	slt.u32 s12, $0x2;
	(pc) =	sbr.rel @!p1 .LBB1_8-.Ltmp1, $4  }
0x15: {  	s16 =	simm.s32 @!p0 $0x2  }
0x16: {  	s14 =	smov.u32 s11;
	_ =	swait.ge @!p0 [sflag:s16], $0x4000  }
0x17: {  	[sflag:s16] =	ssyncset.done @!p0 $0x0;
	s13 =	smov.u32 s10;
	s10 =	smov.u32 s15  }
0x18: {  	[sflag:s16] =	ssyncadd.s32 @!p0 $0xFFFFC000;
	s12 =	sadd.s32 $0x1, s12;
	s11 =	smov.u32 s17  }
.LBB1_1:
0x19: {  	p0 =	sge.u32 s12, s4  }
0x1a: {  	s31 =	sadd.s32 $0xFFFFFFFF, s12;
	s15 =	sxor.u32 @!p0 $0xFFFFFFFF, s12;
	s16 =	sshll.u32 @!p0 s11, $0x12  }
0x1b: {  	s17 =	sshll.u32 @!p0 s10, $0x5;
	s15 =	sshll.u32 @!p0 s15, $0xE;
	s16 =	sadd.s32 @!p0 s5, s16  }
0x1c: {  	s15 =	sand.u32 @!p0 $0x4000, s15;
	s16 =	sadd.s32 @!p0 s17, s16;
	s17 =	simm.s32 @!p0 $0x0  }
0x1d: {  	[tilespmem:s15], [sflag:$0x1] =	stream.linear.gather @!p0 [hbm4b:s16+s17], $0x4000, $0x38;
	[tilespmem:$0x10000] =	vst v63  }
0x1e: {  	p0 =	sge.u32 s31, s4  }
.Ltmp2:
0x1f: {  	_ = 	snop;
	(pc) =	sbr.rel @p0 .LBB1_7-.Ltmp2, $1  }
0x20: {  	_ =	sdelay $0x3  }
0x21: {  	_ =	swait.ge [sflag:s3], $0x4000;
	s15 =	sshll.u32 s12, $0xE  }
0x22: {  	[sflag:s3] =	ssyncset.done $0x0;
	s16 =	sand.u32 $0x4000, s15  }
0x23: {  	s17 =	simm.s32 $0x0;
	[sflag:s3] =	ssyncadd.s32 $0xFFFFC000;
	s15 =	sor.u32 $0x8000, s16  }
.LBB1_3:
0x24: {  	s18 =	sshll.u32 s17, $0x8  }
0x25: {  	s18 =	sand.u32 $0x3FFFFF00, s18  }
0x26: {  	s19 =	sshll.u32 s17, $0x7;
	s18 =	sadd.s32 s18, s16  }
0x27: {  	s19 =	sand.u32 $0x3FFFFF80, s19;
	v0 =	vmov s18  }
0x28: {  	s19 =	sadd.s32 s19, s15  }
0x29: {  	p0 =	por $0x1, $0x1;
	v1 =	vmov s19;
	s18 =	simm.s32 $0x0  }
.LBB1_4:
0x2a: {  	s19 =	sshll.u32 s18, $0x7  }
0x2b: {  	s19 =	sand.u32 $0x3FFFFF80, s19  }
0x2c: {  	v2 =	vld.idx.msk [tilespmem:v0+s19+$0x0 ss:$0x1], $0xffff  }
0x2d: {  	v3 =	vld.idx.msk [tilespmem:v0+s19+$0x10 ss:$0x1], $0xffff  }
0x2e: {  	v4 =	vld.idx.msk [tilespmem:v0+s19+$0x20 ss:$0x1], $0xffff  }
0x2f: {  	s31 =	sshll.u32 s18, $0xD;
	v5 =	vld.idx.msk [tilespmem:v0+s19+$0x30 ss:$0x1], $0xffff  }
0x30: {  	s18 =	sand.u32 $0x3FFFE000, s31;
	v6 =	vld.idx.msk [tilespmem:v0+s19+$0x40 ss:$0x1], $0xffff  }
0x31: {  	v63 =	vld.idx.msk [tilespmem:v0+s19+$0x70 ss:$0x1], $0xffff;
	[tilespmem:v1+s18+$0x0 ss:$0x1] =	vst.idx.msk $0xffff, v2  }
0x32: {  	v2 =	vld.idx.msk [tilespmem:v0+s19+$0x50 ss:$0x1], $0xffff;
	[tilespmem:v1+s18+$0x10 ss:$0x1] =	vst.idx.msk $0xffff, v3  }
0x33: {  	p1 =	por p0, p0;
	v3 =	vld.idx.msk [tilespmem:v0+s19+$0x60 ss:$0x1], $0xffff;
	[tilespmem:v1+s18+$0x20 ss:$0x1] =	vst.idx.msk $0xffff, v4  }
.Ltmp3:
0x34: {  	[tilespmem:v1+s18+$0x30 ss:$0x1] =	vst.idx.msk $0xffff, v5;
	(pc) =	sbr.rel @p1 .LBB1_4-.Ltmp3, $4  }
0x35: {  	[tilespmem:v1+s18+$0x40 ss:$0x1] =	vst.idx.msk $0xffff, v6  }
0x36: {  	[tilespmem:v1+s18+$0x70 ss:$0x1] =	vst.idx.msk $0xffff, v63  }
0x37: {  	[tilespmem:v1+s18+$0x50 ss:$0x1] =	vst.idx.msk $0xffff, v2  }
0x38: {  	p0 =	por $0x0, $0x0;
	[tilespmem:v1+s18+$0x60 ss:$0x1] =	vst.idx.msk $0xffff, v3;
	s18 =	simm.s32 $0x1  }
0x39: {  	s17 =	sadd.s32 $0x1, s17  }
0x3a: {  	p0 =	sne.s32 s17, $0x40  }
.Ltmp4:
0x3b: {  	_ = 	snop;
	(pc) =	sbr.rel @p0 .LBB1_3-.Ltmp4, $1  }
0x3c: {  	_ =	sdelay $0x3  }
.Ltmp5:
0x3d: {  	(pc) =	sbr.rel .LBB1_7-.Ltmp5, $4  }
0x3e: {  	s14 =	sshll.u32 s14, $0x12;
	s13 =	sshll.u32 s13, $0x4  }
0x3f: {  	s13 =	sand.u32 $0x1FFF0, s13;
	s14 =	sadd.s32 s6, s14  }
0x40: {  	s13 =	sadd.s32 s13, s14  }
0x41: {  	[hbm4b:s13+s8] =	stream.strided.scatter [tilespmem:s15], [sflag:$0x2], $0x4000, s9, s8, $0x38;
	[tilespmem:$0x10000] =	vst v63  }
.LBB1_8:
0x42: {  	_ =	sfence.sel $0x180000  }
0x43: {  	s2 =	simm.s32 $0x1;
	[bflag:$0x0] =	sbarrier.arrive $0xFFFF  }
0x44: {  	s31 =	simm.s32 $0x2;
	[sflag:s2] =	ssyncpa.u1 $0x1  }
0x45: {  	[sflag:s31] =	ssyncpa.u1 $0x1  }
0x46: {  	p0 =	sne.s32 s0, $0x0;
	_ =	strace $0x90000047  }
0x47: {  	s0 =	sadd.s32 @!p0 $0x100000, s1;
	[bflag:$0x2] =	sbarrier.arrive $0xFFFF  }
0x48: {  	[sflag:s0] =	ssyncadd.tile.s32 @!p0 $0x1;
	_ =	shalt  }
.Lfunc_end1:
_tile_overlayer_lowered:
.L_overlay_start_2:
0x49: {  	(tag) =	ssettag $0x2  }
0x4a: {  	s0 =	rddreg [dreg:$0x0];
	s2 =	stileid.u32  }
0x4b: {  	s1 =	rddreg [dreg:$0x1];
	p0 =	sne.s32 s2, $0x0  }
0x4c: {  	s3 =	rddreg [dreg:$0x2];
	[bflag:$0x3] =	sbarrier.arrive $0xFFFF;
	s2 =	simm.s32 @!p0 $0x1C01  }
0x4d: {  	[timem:s3], [sflag:s2] =	dma.local @!p0 [hbm:s0], s1  }
0x4e: {  	s0 =	simm.s32 @!p0 $0x1  }
0x4f: {  	_ =	swait.ge @!p0 [sflag:s0], s1  }
0x50: {  	s1 =	ssub.s32 @!p0 $0x0, s1;
	[sflag:s0] =	ssyncset.done @!p0 $0x0  }
0x51: {  	[sflag:s0] =	ssyncadd.s32 @!p0 s1  }
0x52: {  	[bflag:$0x3] =	sbarrier.arrive $0xFFFF  }
0x53: {  	_ =	shalt  }

</sc_bundles>
